<compile_context>
chip_gen: v7x
topology: tpu7x:2x2x1
jax: 0.10.2.dev20260603
libtpu: 0.0.44.dev20260713+nightly
codegen_flags: <defaults>
</compile_context>

<pallas_src>
import functools

import jax
import jax.numpy as jnp
from jax import lax
from jax.experimental import pallas as pl
from jax.experimental.pallas import tpu as pltpu
from jax.experimental.pallas import tpu_sc as plsc

N = 10000
D = 128
NC = 2
NS = 16
NW = NC * NS
CHUNK = 128
NP = 10240
RPT = NP // NS


def _sc_segsum(h_pad, srcA, dstA, srcB, dstB, z128):
    cptA = srcA.shape[1]
    cptB = srcB.shape[1]

    @functools.partial(
        pl.kernel,
        out_type=jax.ShapeDtypeStruct((NC, NP, D), jnp.float32),
        mesh=plsc.VectorSubcoreMesh(core_axis_name="c", subcore_axis_name="s"),
        scratch_types=[
            pltpu.VMEM((cptA, CHUNK), jnp.int32),
            pltpu.VMEM((cptA, CHUNK), jnp.int32),
            pltpu.VMEM((CHUNK, D), jnp.float32),
            pltpu.VMEM_SHARED((NP, D), jnp.float32),
            pltpu.SemaphoreType.DMA,
        ],
    )
    def k(h_hbm, srcA_hbm, dstA_hbm, srcB_hbm, dstB_hbm, z_hbm, out_hbm,
          sidx, didx, rows, acc, sem):
        c = lax.axis_index("c")
        s = lax.axis_index("s")
        pltpu.sync_copy(z_hbm, acc.at[pl.ds(s * RPT, RPT)])

        @pl.when(c == 0)
        def _():
            pltpu.sync_copy(srcA_hbm.at[s], sidx)
            pltpu.sync_copy(dstA_hbm.at[s], didx)

        @pl.when(c == 1)
        def _():
            pltpu.sync_copy(srcB_hbm.at[s], sidx.at[pl.ds(0, cptB)])
            pltpu.sync_copy(dstB_hbm.at[s], didx.at[pl.ds(0, cptB)])

        plsc.subcore_barrier()

        @pl.when(c == 0)
        def _():
            @pl.loop(0, cptA)
            def _(j):
                pltpu.async_copy(h_hbm.at[sidx.at[j]], rows, sem).wait()
                pltpu.sync_copy(rows, acc.at[didx.at[j]], add=True)

        @pl.when(c == 1)
        def _():
            @pl.loop(0, cptB)
            def _(j):
                pltpu.async_copy(h_hbm.at[sidx.at[j]], rows, sem).wait()
                pltpu.sync_copy(rows, acc.at[didx.at[j]], add=True)

        plsc.subcore_barrier()
        pltpu.sync_copy(acc.at[pl.ds(s * RPT, RPT)],
                        out_hbm.at[c, pl.ds(s * RPT, RPT)])

    return k(h_pad, srcA, dstA, srcB, dstB, z128)


def _sc_degcount(dst_pad, z128, ones128):
    cpt = dst_pad.shape[1]

    @functools.partial(
        pl.kernel,
        out_type=jax.ShapeDtypeStruct((NC, NP, D), jnp.float32),
        mesh=plsc.VectorSubcoreMesh(core_axis_name="c", subcore_axis_name="s"),
        scratch_types=[
            pltpu.VMEM((cpt, CHUNK), jnp.int32),
            pltpu.VMEM((CHUNK, D), jnp.float32),
            pltpu.VMEM_SHARED((NP, D), jnp.float32),
        ],
    )
    def k(dst_hbm, z_hbm, ones_hbm, out_hbm, didx, ones_v, acc):
        c = lax.axis_index("c")
        s = lax.axis_index("s")
        w = c * NS + s
        pltpu.sync_copy(z_hbm, acc.at[pl.ds(s * RPT, RPT)])
        pltpu.sync_copy(dst_hbm.at[w], didx)
        pltpu.sync_copy(ones_hbm, ones_v)
        plsc.subcore_barrier()

        @pl.loop(0, cpt)
        def _(j):
            pltpu.sync_copy(ones_v, acc.at[didx.at[j]], add=True)

        plsc.subcore_barrier()
        pltpu.sync_copy(acc.at[pl.ds(s * RPT, RPT)],
                        out_hbm.at[c, pl.ds(s * RPT, RPT)])

    return k(dst_pad, z128, ones128)


BR = 512


def _tc_rdeg(degp):
    grid = NP // BR

    def rk(d_ref, o_ref):
        dg = d_ref[0, :, 0:1] + d_ref[1, :, 0:1]
        o_ref[...] = jnp.broadcast_to(1.0 / jnp.maximum(dg, 1.0), (BR, 8))

    return pl.pallas_call(
        rk,
        grid=(grid,),
        in_specs=[pl.BlockSpec((NC, BR, 8), lambda i: (0, i, 0))],
        out_specs=pl.BlockSpec((BR, 8), lambda i: (i, 0)),
        out_shape=jax.ShapeDtypeStruct((NP, 8), jnp.float32),
    )(degp[:, :, 0:8])


def _tc_z(h_pad, parts, rdeg, W_self, W_neigh, b):
    grid = NP // BR

    def zk(h_ref, p_ref, r_ref, ws_ref, wn_ref, b_ref, z_ref, st_ref):
        i = pl.program_id(0)
        hb = h_ref[...]
        hn = (p_ref[0] + p_ref[1]) * r_ref[:, 0:1]
        z = (jnp.dot(hb, ws_ref[...], preferred_element_type=jnp.float32)
             + jnp.dot(hn, wn_ref[...], preferred_element_type=jnp.float32)
             + b_ref[...])
        rows = i * BR + lax.broadcasted_iota(jnp.int32, (BR, D), 0)
        z = jnp.where(rows < N, z, 0.0)
        z_ref[...] = z

        @pl.when(i == 0)
        def _():
            st_ref[...] = jnp.zeros_like(st_ref)

        st_ref[0:1, :] += jnp.sum(z, axis=0, keepdims=True)
        st_ref[1:2, :] += jnp.sum(z * z, axis=0, keepdims=True)

    return pl.pallas_call(
        zk,
        grid=(grid,),
        in_specs=[
            pl.BlockSpec((BR, D), lambda i: (i, 0)),
            pl.BlockSpec((NC, BR, D), lambda i: (0, i, 0)),
            pl.BlockSpec((BR, 8), lambda i: (i, 0)),
            pl.BlockSpec((D, D), lambda i: (0, 0)),
            pl.BlockSpec((D, D), lambda i: (0, 0)),
            pl.BlockSpec((1, D), lambda i: (0, 0)),
        ],
        out_specs=[
            pl.BlockSpec((BR, D), lambda i: (i, 0)),
            pl.BlockSpec((8, D), lambda i: (0, 0)),
        ],
        out_shape=[
            jax.ShapeDtypeStruct((NP, D), jnp.float32),
            jax.ShapeDtypeStruct((8, D), jnp.float32),
        ],
    )(h_pad, parts, rdeg, W_self, W_neigh, b.reshape(1, D))


def _tc_norm(z, st, gamma, beta):
    grid = NP // BR

    def nk(z_ref, st_ref, g_ref, bt_ref, o_ref):
        i = pl.program_id(0)
        mu = st_ref[0:1, :] * (1.0 / N)
        var = st_ref[1:2, :] * (1.0 / N) - mu * mu
        inv = lax.rsqrt(var + 1e-5)
        o = (z_ref[...] - mu) * inv * g_ref[...] + bt_ref[...]
        o = jnp.maximum(o, 0.0)
        rows = i * BR + lax.broadcasted_iota(jnp.int32, (BR, D), 0)
        o_ref[...] = jnp.where(rows < N, o, 0.0)

    return pl.pallas_call(
        nk,
        grid=(grid,),
        in_specs=[
            pl.BlockSpec((BR, D), lambda i: (i, 0)),
            pl.BlockSpec((8, D), lambda i: (0, 0)),
            pl.BlockSpec((1, D), lambda i: (0, 0)),
            pl.BlockSpec((1, D), lambda i: (0, 0)),
        ],
        out_specs=pl.BlockSpec((BR, D), lambda i: (i, 0)),
        out_shape=jax.ShapeDtypeStruct((NP, D), jnp.float32),
    )(z, st, gamma.reshape(1, D), beta.reshape(1, D))


def _tc_final(h_pad, parts, rdeg, W_self, W_neigh, b, w1, b1, w2, b2, w3p, b3p):
    grid = NP // BR

    def fk(h_ref, p_ref, r_ref, ws_ref, wn_ref, b_ref, w1_ref, b1_ref,
           w2_ref, b2_ref, w3_ref, b3_ref, o_ref):
        hb = h_ref[...]
        hn = (p_ref[0] + p_ref[1]) * r_ref[:, 0:1]
        h3 = (jnp.dot(hb, ws_ref[...], preferred_element_type=jnp.float32)
              + jnp.dot(hn, wn_ref[...], preferred_element_type=jnp.float32)
              + b_ref[...])
        t = jnp.maximum(jnp.dot(h3, w1_ref[...], preferred_element_type=jnp.float32)
                        + b1_ref[...], 0.0)
        t = jnp.maximum(jnp.dot(t, w2_ref[...], preferred_element_type=jnp.float32)
                        + b2_ref[...], 0.0)
        o_ref[...] = (jnp.dot(t, w3_ref[...], preferred_element_type=jnp.float32)
                      + b3_ref[...])

    full = lambda i: (0, 0)
    return pl.pallas_call(
        fk,
        grid=(grid,),
        in_specs=[
            pl.BlockSpec((BR, D), lambda i: (i, 0)),
            pl.BlockSpec((NC, BR, D), lambda i: (0, i, 0)),
            pl.BlockSpec((BR, 8), lambda i: (i, 0)),
            pl.BlockSpec((D, D), full), pl.BlockSpec((D, D), full),
            pl.BlockSpec((1, D), full),
            pl.BlockSpec((D, D), full), pl.BlockSpec((1, D), full),
            pl.BlockSpec((D, D), full), pl.BlockSpec((1, D), full),
            pl.BlockSpec((D, D), full), pl.BlockSpec((1, D), full),
        ],
        out_specs=pl.BlockSpec((BR, D), lambda i: (i, 0)),
        out_shape=jax.ShapeDtypeStruct((NP, D), jnp.float32),
    )(h_pad, parts, rdeg, W_self, W_neigh, b.reshape(1, D),
      w1, b1.reshape(1, D), w2, b2.reshape(1, D), w3p, b3p)


def kernel(x, edge_index, W_self1, W_neigh1, b1, W_self2, W_neigh2, b2,
           W_self3, W_neigh3, b3, bn_gamma, bn_beta,
           dec_W1, dec_b1, dec_W2, dec_b2, dec_W3, dec_b3):
    E = edge_index.shape[1]
    cpt = (E + NW * CHUNK - 1) // (NW * CHUNK)
    ep = NW * cpt * CHUNK

    pad = jnp.full((ep - E,), N, jnp.int32)
    srcab = jnp.concatenate([edge_index[0], pad])
    dstab = jnp.concatenate([edge_index[1], pad])
    srcp = srcab.reshape(NW, cpt, CHUNK)
    dstp = dstab.reshape(NW, cpt, CHUNK)

    cpt_a = (11 * 2 * cpt) // 16
    cpt_b = 2 * cpt - cpt_a
    na = NS * cpt_a * CHUNK
    srcA = srcab[:na].reshape(NS, cpt_a, CHUNK)
    dstA = dstab[:na].reshape(NS, cpt_a, CHUNK)
    srcB = srcab[na:].reshape(NS, cpt_b, CHUNK)
    dstB = dstab[na:].reshape(NS, cpt_b, CHUNK)

    xp = jnp.zeros((NP, D), jnp.float32).at[:N, :].set(x)
    z128 = jnp.zeros((RPT, D), jnp.float32)
    ones128 = jnp.ones((CHUNK, D), jnp.float32)

    degp = _sc_degcount(dstp, z128, ones128)
    rdeg = _tc_rdeg(degp)

    p1 = _sc_segsum(xp, srcA, dstA, srcB, dstB, z128)
    z1, st1 = _tc_z(xp, p1, rdeg, W_self1, W_neigh1, b1)
    h1 = _tc_norm(z1, st1, bn_gamma, bn_beta)

    p2 = _sc_segsum(h1, srcA, dstA, srcB, dstB, z128)
    z2, st2 = _tc_z(h1, p2, rdeg, W_self2, W_neigh2, b2)
    h2 = _tc_norm(z2, st2, bn_gamma, bn_beta)

    p3 = _sc_segsum(h2, srcA, dstA, srcB, dstB, z128)
    w3p = jnp.zeros((D, D), jnp.float32).at[:, 0:1].set(dec_W3)
    b3p = jnp.zeros((1, D), jnp.float32).at[0, 0].set(dec_b3[0])
    out = _tc_final(h2, p3, rdeg, W_self3, W_neigh3, b3,
                    dec_W1, dec_b1, dec_W2, dec_b2, w3p, b3p)
    return out[:N, 0:1]

# --- scband reference (transcript-rebuilt; emitter-appended) ---
"""Pipeline reference for scband-sage-79328045957727 (READ-ONLY COPY).

The authoritative reference and input builder live on the scoring server;
editing this copy changes nothing except your own understanding.
"""

import jax, jax.numpy as jnp
import numpy as np

N = 10000
E = 320000
D = 128
H = 128


def _glorot(key, shape):
    fan_in, fan_out = shape[0], shape[1]
    lim = np.sqrt(6.0 / (fan_in + fan_out))
    return jax.random.uniform(key, shape, dtype=jnp.float32, minval=-lim, maxval=lim)


def setup_inputs(seed: int = 0) -> dict:
    key = jax.random.key(seed)
    ks = jax.random.split(key, 24)
    inp = {}
    inp["x"] = jax.random.normal(ks[0], (N, D), dtype=jnp.float32)
    inp["edge_index"] = jax.random.randint(ks[1], (2, E), 0, N, dtype=jnp.int32)
    # SAGEConv layer 1 (in=D, out=H)
    inp["W_self1"] = _glorot(ks[2], (D, H))
    inp["W_neigh1"] = _glorot(ks[3], (D, H))
    inp["b1"] = jnp.zeros((H,), jnp.float32)
    # SAGEConv layer 2 (H -> H)
    inp["W_self2"] = _glorot(ks[4], (H, H))
    inp["W_neigh2"] = _glorot(ks[5], (H, H))
    inp["b2"] = jnp.zeros((H,), jnp.float32)
    # SAGEConv layer 3 (H -> H)
    inp["W_self3"] = _glorot(ks[6], (H, H))
    inp["W_neigh3"] = _glorot(ks[7], (H, H))
    inp["b3"] = jnp.zeros((H,), jnp.float32)
    # shared BatchNorm1d(H)
    inp["bn_gamma"] = jnp.ones((H,), jnp.float32)
    inp["bn_beta"] = jnp.zeros((H,), jnp.float32)
    # decoder MLP: H->H->H->1
    inp["dec_W1"] = _glorot(ks[8], (H, H))
    inp["dec_b1"] = jnp.zeros((H,), jnp.float32)
    inp["dec_W2"] = _glorot(ks[9], (H, H))
    inp["dec_b2"] = jnp.zeros((H,), jnp.float32)
    inp["dec_W3"] = _glorot(ks[10], (H, 1))
    inp["dec_b3"] = jnp.zeros((1,), jnp.float32)
    return inp


def _sage_conv(h, src, dst, W_self, W_neigh, b):
    # DGL SAGEConv with 'mean' aggregator: fc_self(h_dst) + fc_neigh(mean_{src->dst} h_src) + bias
    msg = jnp.take(h, src, axis=0)
    agg = jax.ops.segment_sum(msg, dst, num_segments=N)
    deg = jax.ops.segment_sum(jnp.ones((src.shape[0],), h.dtype), dst, num_segments=N)
    h_neigh = agg / jnp.clip(deg, 1.0)[:, None]
    return h @ W_self + h_neigh @ W_neigh + b


def _batch_norm(h, gamma, beta, eps=1e-5):
    mu = jnp.mean(h, axis=0)
    var = jnp.var(h, axis=0)
    return (h - mu) / jnp.sqrt(var + eps) * gamma + beta


def reference(x, edge_index, W_self1, W_neigh1, b1, W_self2, W_neigh2, b2,
              W_self3, W_neigh3, b3, bn_gamma, bn_beta,
              dec_W1, dec_b1, dec_W2, dec_b2, dec_W3, dec_b3):
    src = edge_index[0]
    dst = edge_index[1]
    h = _sage_conv(x, src, dst, W_self1, W_neigh1, b1)
    h = _batch_norm(h, bn_gamma, bn_beta)
    h = jax.nn.relu(h)
    # dropout is identity in eval / deterministic reference
    h = _sage_conv(h, src, dst, W_self2, W_neigh2, b2)
    h = _batch_norm(h, bn_gamma, bn_beta)
    h = jax.nn.relu(h)
    h = _sage_conv(h, src, dst, W_self3, W_neigh3, b3)
    # decoder MLP
    h = jax.nn.relu(h @ dec_W1 + dec_b1)
    h = jax.nn.relu(h @ dec_W2 + dec_b2)
    h = h @ dec_W3 + dec_b3
    return h

if __name__ == "__main__":
    import jax
    _d = setup_inputs()
    print(jax.jit(kernel)(*tuple(_d.values())))

</pallas_src>

<mosaic_0001>
#map = affine_map<(d0, d1) -> (0, 0, 0)>
#map1 = affine_map<(d0, d1) -> (0, 0)>
module attributes {stable_mosaic.version = 14 : i64} {
  func.func @k(%arg0: i32, %arg1: i32, %arg2: memref<32x79x128xi32, #tpu.memory_space<hbm>>, %arg3: memref<640x128xf32, #tpu.memory_space<hbm>>, %arg4: memref<128x128xf32, #tpu.memory_space<hbm>>, %arg5: memref<2x10240x128xf32, #tpu.memory_space<hbm>>, %arg6: memref<79x128xi32, #tpu.memory_space<vmem>>, %arg7: memref<128x128xf32, #tpu.memory_space<vmem>>, %arg8: memref<10240x128xf32, #tpu.memory_space<vmem_shared>>) attributes {dimension_semantics = [#tpu.dimension_semantics<core_parallel>, #tpu.dimension_semantics<subcore_parallel>], iteration_bounds = array<i64: 2, 16>, scalar_prefetch = 0 : i64, scratch_operands = 3 : i64, tpu.core_type = #tpu.core_type<sc_vector_subcore>, window_params = [{transform_indices = #map}, {transform_indices = #map1}, {transform_indices = #map1}, {transform_indices = #map}]} {
    %mul3A = arith.constant 16 : i32
    %mul3A_0 = arith.muli %arg0, %mul3A : i32
    %add3A = arith.addi %mul3A_0, %arg1 : i32
    %mul3A_1 = arith.constant 640 : i32
    %mul3A_2 = arith.muli %arg1, %mul3A_1 : i32
    "tpu.region"() ({
      %run_scoped3A = tpu.sem_alloc : memref<!tpu.dma_semaphore, #tpu.memory_space<semaphore_mem>>
      %dma_start3A = arith.constant 0 : i32
      %dma_start3A_12 = tpu.memref_slice %arg8[%mul3A_2, %dma_start3A] : memref<10240x128xf32, #tpu.memory_space<vmem_shared>> -> memref<640x128xf32, #tpu.memory_space<vmem_shared>>
      tpu.enqueue_dma source(%arg3 : memref<640x128xf32, #tpu.memory_space<hbm>>) target(%dma_start3A_12 : memref<640x128xf32, #tpu.memory_space<vmem_shared>>) target_semaphore(%run_scoped3A : memref<!tpu.dma_semaphore, #tpu.memory_space<semaphore_mem>>)
      %dma_wait3A = arith.constant 0 : i32
      %dma_wait3A_13 = tpu.memref_slice %arg8[%mul3A_2, %dma_wait3A] : memref<10240x128xf32, #tpu.memory_space<vmem_shared>> -> memref<640x128xf32, #tpu.memory_space<vmem_shared>>
      tpu.wait_dma2 semaphore(%run_scoped3A : memref<!tpu.dma_semaphore, #tpu.memory_space<semaphore_mem>>) src(%arg3 : memref<640x128xf32, #tpu.memory_space<hbm>>) dst(%dma_wait3A_13 : memref<640x128xf32, #tpu.memory_space<vmem_shared>>)
      tpu.yield
    }) : () -> ()
    "tpu.region"() ({
      %run_scoped3A = tpu.sem_alloc : memref<!tpu.dma_semaphore, #tpu.memory_space<semaphore_mem>>
      %dma_start3A = arith.constant 0 : i32
      %dma_start3A_12 = arith.constant 0 : i32
      %dma_start3A_13 = tpu.memref_slice %arg2[%add3A, %dma_start3A, %dma_start3A_12] : memref<32x79x128xi32, #tpu.memory_space<hbm>> -> memref<1x79x128xi32, #tpu.memory_space<hbm>>
      %dma_start3A_14 = tpu.memref_squeeze %dma_start3A_13 : memref<1x79x128xi32, #tpu.memory_space<hbm>> -> memref<79x128xi32, #tpu.memory_space<hbm>>
      %dma_start3A_15 = arith.constant 0 : i32
      %dma_start3A_16 = arith.constant 0 : i32
      %dma_start3A_17 = tpu.memref_slice %arg2[%add3A, %dma_start3A_15, %dma_start3A_16] : memref<32x79x128xi32, #tpu.memory_space<hbm>> -> memref<1x79x128xi32, #tpu.memory_space<hbm>>
      %dma_start3A_18 = tpu.memref_squeeze %dma_start3A_17 : memref<1x79x128xi32, #tpu.memory_space<hbm>> -> memref<79x128xi32, #tpu.memory_space<hbm>>
      tpu.enqueue_dma source(%dma_start3A_18 : memref<79x128xi32, #tpu.memory_space<hbm>>) target(%arg6 : memref<79x128xi32, #tpu.memory_space<vmem>>) target_semaphore(%run_scoped3A : memref<!tpu.dma_semaphore, #tpu.memory_space<semaphore_mem>>)
      %dma_wait3A = arith.constant 0 : i32
      %dma_wait3A_19 = arith.constant 0 : i32
      %dma_wait3A_20 = tpu.memref_slice %arg2[%add3A, %dma_wait3A, %dma_wait3A_19] : memref<32x79x128xi32, #tpu.memory_space<hbm>> -> memref<1x79x128xi32, #tpu.memory_space<hbm>>
      %dma_wait3A_21 = tpu.memref_squeeze %dma_wait3A_20 : memref<1x79x128xi32, #tpu.memory_space<hbm>> -> memref<79x128xi32, #tpu.memory_space<hbm>>
      %dma_wait3A_22 = arith.constant 0 : i32
      %dma_wait3A_23 = arith.constant 0 : i32
      %dma_wait3A_24 = tpu.memref_slice %arg2[%add3A, %dma_wait3A_22, %dma_wait3A_23] : memref<32x79x128xi32, #tpu.memory_space<hbm>> -> memref<1x79x128xi32, #tpu.memory_space<hbm>>
      %dma_wait3A_25 = tpu.memref_squeeze %dma_wait3A_24 : memref<1x79x128xi32, #tpu.memory_space<hbm>> -> memref<79x128xi32, #tpu.memory_space<hbm>>
      tpu.wait_dma2 semaphore(%run_scoped3A : memref<!tpu.dma_semaphore, #tpu.memory_space<semaphore_mem>>) src(%dma_wait3A_25 : memref<79x128xi32, #tpu.memory_space<hbm>>) dst(%arg6 : memref<79x128xi32, #tpu.memory_space<vmem>>)
      tpu.yield
    }) : () -> ()
    "tpu.region"() ({
      %run_scoped3A = tpu.sem_alloc : memref<!tpu.dma_semaphore, #tpu.memory_space<semaphore_mem>>
      tpu.enqueue_dma source(%arg4 : memref<128x128xf32, #tpu.memory_space<hbm>>) target(%arg7 : memref<128x128xf32, #tpu.memory_space<vmem>>) target_semaphore(%run_scoped3A : memref<!tpu.dma_semaphore, #tpu.memory_space<semaphore_mem>>)
      tpu.wait_dma2 semaphore(%run_scoped3A : memref<!tpu.dma_semaphore, #tpu.memory_space<semaphore_mem>>) src(%arg4 : memref<128x128xf32, #tpu.memory_space<hbm>>) dst(%arg7 : memref<128x128xf32, #tpu.memory_space<vmem>>)
      tpu.yield
    }) : () -> ()
    %barrier3A = arith.constant 0 : index
    tpu.barrier barrier_id(%barrier3A)
    %scan3A = arith.constant 0 : i32
    %scan3A_3 = arith.constant 79 : i32
    %scan3A_4 = arith.addi %scan3A, %scan3A_3 : i32
    %scan3A_5 = arith.constant 1 : i32
    scf.for %scan3A_12 = %scan3A to %scan3A_4 step %scan3A_5  : i32 {
      %mul3A_13 = arith.constant 1 : i32
      %mul3A_14 = arith.muli %scan3A_12, %mul3A_13 : i32
      %add3A_15 = arith.constant 0 : i32
      %add3A_16 = arith.addi %add3A_15, %mul3A_14 : i32
      "tpu.region"() ({
        %run_scoped3A = tpu.sem_alloc : memref<!tpu.dma_semaphore, #tpu.memory_space<semaphore_mem>>
        %dma_start3A = arith.constant 0 : i32
        %dma_start3A_17 = tpu.memref_slice %arg6[%add3A_16, %dma_start3A] : memref<79x128xi32, #tpu.memory_space<vmem>> -> memref<1x128xi32, #tpu.memory_space<vmem>>
        %dma_start3A_18 = tpu.memref_squeeze %dma_start3A_17 : memref<1x128xi32, #tpu.memory_space<vmem>> -> memref<128xi32, #tpu.memory_space<vmem>>
        %dma_start3A_19 = arith.constant 0 : i32
        %dma_start3A_20 = arith.constant 0 : i32
        %dma_start3A_21 = tpu.memref_slice %arg8[%dma_start3A_19, %dma_start3A_20] : memref<10240x128xf32, #tpu.memory_space<vmem_shared>> -> memref<10240x128xf32, #tpu.memory_space<vmem_shared>>
        tpu.enqueue_indirect_dma source(%arg7 : memref<128x128xf32, #tpu.memory_space<vmem>>) target(%dma_start3A_21 : memref<10240x128xf32, #tpu.memory_space<vmem_shared>>) offsets(%dma_start3A_18 : memref<128xi32, #tpu.memory_space<vmem>>) semaphore(%run_scoped3A : memref<!tpu.dma_semaphore, #tpu.memory_space<semaphore_mem>>) {add = true}
        %dma_wait3A = arith.constant 0 : i32
        %dma_wait3A_22 = tpu.memref_slice %arg6[%add3A_16, %dma_wait3A] : memref<79x128xi32, #tpu.memory_space<vmem>> -> memref<1x128xi32, #tpu.memory_space<vmem>>
        %dma_wait3A_23 = tpu.memref_squeeze %dma_wait3A_22 : memref<1x128xi32, #tpu.memory_space<vmem>> -> memref<128xi32, #tpu.memory_space<vmem>>
        %dma_wait3A_24 = arith.constant 0 : i32
        %dma_wait3A_25 = arith.constant 0 : i32
        %dma_wait3A_26 = tpu.memref_slice %arg8[%dma_wait3A_24, %dma_wait3A_25] : memref<10240x128xf32, #tpu.memory_space<vmem_shared>> -> memref<10240x128xf32, #tpu.memory_space<vmem_shared>>
        tpu.wait_indirect_dma semaphore(%run_scoped3A : memref<!tpu.dma_semaphore, #tpu.memory_space<semaphore_mem>>) src(%arg7 : memref<128x128xf32, #tpu.memory_space<vmem>>) dst(%dma_wait3A_26 : memref<10240x128xf32, #tpu.memory_space<vmem_shared>>)
        tpu.yield
      }) : () -> ()
    }
    %scan3A_6 = arith.constant 79 : i32
    %barrier3A_7 = arith.constant 0 : index
    tpu.barrier barrier_id(%barrier3A_7)
    %mul3A_8 = arith.constant 640 : i32
    %mul3A_9 = arith.muli %arg1, %mul3A_8 : i32
    %mul3A_10 = arith.constant 640 : i32
    %mul3A_11 = arith.muli %arg1, %mul3A_10 : i32
    "tpu.region"() ({
      %run_scoped3A = tpu.sem_alloc : memref<!tpu.dma_semaphore, #tpu.memory_space<semaphore_mem>>
      %dma_start3A = arith.constant 0 : i32
      %dma_start3A_12 = tpu.memref_slice %arg5[%arg0, %mul3A_11, %dma_start3A] : memref<2x10240x128xf32, #tpu.memory_space<hbm>> -> memref<1x640x128xf32, #tpu.memory_space<hbm>>
      %dma_start3A_13 = tpu.memref_squeeze %dma_start3A_12 : memref<1x640x128xf32, #tpu.memory_space<hbm>> -> memref<640x128xf32, #tpu.memory_space<hbm>>
      %dma_start3A_14 = arith.constant 0 : i32
      %dma_start3A_15 = tpu.memref_slice %arg8[%mul3A_9, %dma_start3A_14] : memref<10240x128xf32, #tpu.memory_space<vmem_shared>> -> memref<640x128xf32, #tpu.memory_space<vmem_shared>>
      tpu.enqueue_dma source(%dma_start3A_15 : memref<640x128xf32, #tpu.memory_space<vmem_shared>>) target(%dma_start3A_13 : memref<640x128xf32, #tpu.memory_space<hbm>>) target_semaphore(%run_scoped3A : memref<!tpu.dma_semaphore, #tpu.memory_space<semaphore_mem>>)
      %dma_wait3A = arith.constant 0 : i32
      %dma_wait3A_16 = tpu.memref_slice %arg5[%arg0, %mul3A_11, %dma_wait3A] : memref<2x10240x128xf32, #tpu.memory_space<hbm>> -> memref<1x640x128xf32, #tpu.memory_space<hbm>>
      %dma_wait3A_17 = tpu.memref_squeeze %dma_wait3A_16 : memref<1x640x128xf32, #tpu.memory_space<hbm>> -> memref<640x128xf32, #tpu.memory_space<hbm>>
      %dma_wait3A_18 = arith.constant 0 : i32
      %dma_wait3A_19 = tpu.memref_slice %arg8[%mul3A_9, %dma_wait3A_18] : memref<10240x128xf32, #tpu.memory_space<vmem_shared>> -> memref<640x128xf32, #tpu.memory_space<vmem_shared>>
      tpu.wait_dma2 semaphore(%run_scoped3A : memref<!tpu.dma_semaphore, #tpu.memory_space<semaphore_mem>>) src(%dma_wait3A_19 : memref<640x128xf32, #tpu.memory_space<vmem_shared>>) dst(%dma_wait3A_17 : memref<640x128xf32, #tpu.memory_space<hbm>>)
      tpu.yield
    }) : () -> ()
    return
  }
}

#map = affine_map<(d0, d1) -> (0, 0)>
#map1 = affine_map<(d0, d1) -> (0, 0, 0)>
module attributes {stable_mosaic.version = 14 : i64} {
  func.func @k(%arg0: i32, %arg1: i32, %arg2: memref<10240x128xf32, #tpu.memory_space<hbm>>, %arg3: memref<16x108x128xi32, #tpu.memory_space<hbm>>, %arg4: memref<16x108x128xi32, #tpu.memory_space<hbm>>, %arg5: memref<16x50x128xi32, #tpu.memory_space<hbm>>, %arg6: memref<16x50x128xi32, #tpu.memory_space<hbm>>, %arg7: memref<640x128xf32, #tpu.memory_space<hbm>>, %arg8: memref<2x10240x128xf32, #tpu.memory_space<hbm>>, %arg9: memref<108x128xi32, #tpu.memory_space<vmem>>, %arg10: memref<108x128xi32, #tpu.memory_space<vmem>>, %arg11: memref<128x128xf32, #tpu.memory_space<vmem>>, %arg12: memref<10240x128xf32, #tpu.memory_space<vmem_shared>>, %arg13: memref<!tpu.dma_semaphore, #tpu.memory_space<semaphore_mem>>) attributes {dimension_semantics = [#tpu.dimension_semantics<core_parallel>, #tpu.dimension_semantics<subcore_parallel>], iteration_bounds = array<i64: 2, 16>, scalar_prefetch = 0 : i64, scratch_operands = 5 : i64, tpu.core_type = #tpu.core_type<sc_vector_subcore>, window_params = [{transform_indices = #map}, {transform_indices = #map1}, {transform_indices = #map1}, {transform_indices = #map1}, {transform_indices = #map1}, {transform_indices = #map}, {transform_indices = #map1}]} {
    %mul3A = arith.constant 640 : i32
    %mul3A_0 = arith.muli %arg1, %mul3A : i32
    "tpu.region"() ({
      %run_scoped3A = tpu.sem_alloc : memref<!tpu.dma_semaphore, #tpu.memory_space<semaphore_mem>>
      %dma_start3A = arith.constant 0 : i32
      %dma_start3A_23 = tpu.memref_slice %arg12[%mul3A_0, %dma_start3A] : memref<10240x128xf32, #tpu.memory_space<vmem_shared>> -> memref<640x128xf32, #tpu.memory_space<vmem_shared>>
      tpu.enqueue_dma source(%arg7 : memref<640x128xf32, #tpu.memory_space<hbm>>) target(%dma_start3A_23 : memref<640x128xf32, #tpu.memory_space<vmem_shared>>) target_semaphore(%run_scoped3A : memref<!tpu.dma_semaphore, #tpu.memory_space<semaphore_mem>>)
      %dma_wait3A = arith.constant 0 : i32
      %dma_wait3A_24 = tpu.memref_slice %arg12[%mul3A_0, %dma_wait3A] : memref<10240x128xf32, #tpu.memory_space<vmem_shared>> -> memref<640x128xf32, #tpu.memory_space<vmem_shared>>
      tpu.wait_dma2 semaphore(%run_scoped3A : memref<!tpu.dma_semaphore, #tpu.memory_space<semaphore_mem>>) src(%arg7 : memref<640x128xf32, #tpu.memory_space<hbm>>) dst(%dma_wait3A_24 : memref<640x128xf32, #tpu.memory_space<vmem_shared>>)
      tpu.yield
    }) : () -> ()
    %eq3A = arith.constant 0 : i32
    %eq3A_1 = arith.cmpi eq, %arg0, %eq3A : i32
    %convert_element_type3A = arith.extui %eq3A_1 : i1 to i32
    %cond3A = arith.constant 0 : i32
    %cond3A_2 = arith.cmpi ne, %convert_element_type3A, %cond3A : i32
    scf.if %cond3A_2 {
      "tpu.region"() ({
        %run_scoped3A = tpu.sem_alloc : memref<!tpu.dma_semaphore, #tpu.memory_space<semaphore_mem>>
        %dma_start3A = arith.constant 0 : i32
        %dma_start3A_23 = arith.constant 0 : i32
        %dma_start3A_24 = tpu.memref_slice %arg3[%arg1, %dma_start3A, %dma_start3A_23] : memref<16x108x128xi32, #tpu.memory_space<hbm>> -> memref<1x108x128xi32, #tpu.memory_space<hbm>>
        %dma_start3A_25 = tpu.memref_squeeze %dma_start3A_24 : memref<1x108x128xi32, #tpu.memory_space<hbm>> -> memref<108x128xi32, #tpu.memory_space<hbm>>
        %dma_start3A_26 = arith.constant 0 : i32
        %dma_start3A_27 = arith.constant 0 : i32
        %dma_start3A_28 = tpu.memref_slice %arg3[%arg1, %dma_start3A_26, %dma_start3A_27] : memref<16x108x128xi32, #tpu.memory_space<hbm>> -> memref<1x108x128xi32, #tpu.memory_space<hbm>>
        %dma_start3A_29 = tpu.memref_squeeze %dma_start3A_28 : memref<1x108x128xi32, #tpu.memory_space<hbm>> -> memref<108x128xi32, #tpu.memory_space<hbm>>
        tpu.enqueue_dma source(%dma_start3A_29 : memref<108x128xi32, #tpu.memory_space<hbm>>) target(%arg9 : memref<108x128xi32, #tpu.memory_space<vmem>>) target_semaphore(%run_scoped3A : memref<!tpu.dma_semaphore, #tpu.memory_space<semaphore_mem>>)
        %dma_wait3A = arith.constant 0 : i32
        %dma_wait3A_30 = arith.constant 0 : i32
        %dma_wait3A_31 = tpu.memref_slice %arg3[%arg1, %dma_wait3A, %dma_wait3A_30] : memref<16x108x128xi32, #tpu.memory_space<hbm>> -> memref<1x108x128xi32, #tpu.memory_space<hbm>>
        %dma_wait3A_32 = tpu.memref_squeeze %dma_wait3A_31 : memref<1x108x128xi32, #tpu.memory_space<hbm>> -> memref<108x128xi32, #tpu.memory_space<hbm>>
        %dma_wait3A_33 = arith.constant 0 : i32
        %dma_wait3A_34 = arith.constant 0 : i32
        %dma_wait3A_35 = tpu.memref_slice %arg3[%arg1, %dma_wait3A_33, %dma_wait3A_34] : memref<16x108x128xi32, #tpu.memory_space<hbm>> -> memref<1x108x128xi32, #tpu.memory_space<hbm>>
        %dma_wait3A_36 = tpu.memref_squeeze %dma_wait3A_35 : memref<1x108x128xi32, #tpu.memory_space<hbm>> -> memref<108x128xi32, #tpu.memory_space<hbm>>
        tpu.wait_dma2 semaphore(%run_scoped3A : memref<!tpu.dma_semaphore, #tpu.memory_space<semaphore_mem>>) src(%dma_wait3A_36 : memref<108x128xi32, #tpu.memory_space<hbm>>) dst(%arg9 : memref<108x128xi32, #tpu.memory_space<vmem>>)
        tpu.yield
      }) : () -> ()
      "tpu.region"() ({
        %run_scoped3A = tpu.sem_alloc : memref<!tpu.dma_semaphore, #tpu.memory_space<semaphore_mem>>
        %dma_start3A = arith.constant 0 : i32
        %dma_start3A_23 = arith.constant 0 : i32
        %dma_start3A_24 = tpu.memref_slice %arg4[%arg1, %dma_start3A, %dma_start3A_23] : memref<16x108x128xi32, #tpu.memory_space<hbm>> -> memref<1x108x128xi32, #tpu.memory_space<hbm>>
        %dma_start3A_25 = tpu.memref_squeeze %dma_start3A_24 : memref<1x108x128xi32, #tpu.memory_space<hbm>> -> memref<108x128xi32, #tpu.memory_space<hbm>>
        %dma_start3A_26 = arith.constant 0 : i32
        %dma_start3A_27 = arith.constant 0 : i32
        %dma_start3A_28 = tpu.memref_slice %arg4[%arg1, %dma_start3A_26, %dma_start3A_27] : memref<16x108x128xi32, #tpu.memory_space<hbm>> -> memref<1x108x128xi32, #tpu.memory_space<hbm>>
        %dma_start3A_29 = tpu.memref_squeeze %dma_start3A_28 : memref<1x108x128xi32, #tpu.memory_space<hbm>> -> memref<108x128xi32, #tpu.memory_space<hbm>>
        tpu.enqueue_dma source(%dma_start3A_29 : memref<108x128xi32, #tpu.memory_space<hbm>>) target(%arg10 : memref<108x128xi32, #tpu.memory_space<vmem>>) target_semaphore(%run_scoped3A : memref<!tpu.dma_semaphore, #tpu.memory_space<semaphore_mem>>)
        %dma_wait3A = arith.constant 0 : i32
        %dma_wait3A_30 = arith.constant 0 : i32
        %dma_wait3A_31 = tpu.memref_slice %arg4[%arg1, %dma_wait3A, %dma_wait3A_30] : memref<16x108x128xi32, #tpu.memory_space<hbm>> -> memref<1x108x128xi32, #tpu.memory_space<hbm>>
        %dma_wait3A_32 = tpu.memref_squeeze %dma_wait3A_31 : memref<1x108x128xi32, #tpu.memory_space<hbm>> -> memref<108x128xi32, #tpu.memory_space<hbm>>
        %dma_wait3A_33 = arith.constant 0 : i32
        %dma_wait3A_34 = arith.constant 0 : i32
        %dma_wait3A_35 = tpu.memref_slice %arg4[%arg1, %dma_wait3A_33, %dma_wait3A_34] : memref<16x108x128xi32, #tpu.memory_space<hbm>> -> memref<1x108x128xi32, #tpu.memory_space<hbm>>
        %dma_wait3A_36 = tpu.memref_squeeze %dma_wait3A_35 : memref<1x108x128xi32, #tpu.memory_space<hbm>> -> memref<108x128xi32, #tpu.memory_space<hbm>>
        tpu.wait_dma2 semaphore(%run_scoped3A : memref<!tpu.dma_semaphore, #tpu.memory_space<semaphore_mem>>) src(%dma_wait3A_36 : memref<108x128xi32, #tpu.memory_space<hbm>>) dst(%arg10 : memref<108x128xi32, #tpu.memory_space<vmem>>)
        tpu.yield
      }) : () -> ()
    } else {
    }
    %eq3A_3 = arith.constant 1 : i32
    %eq3A_4 = arith.cmpi eq, %arg0, %eq3A_3 : i32
    %convert_element_type3A_5 = arith.extui %eq3A_4 : i1 to i32
    %cond3A_6 = arith.constant 0 : i32
    %cond3A_7 = arith.cmpi ne, %convert_element_type3A_5, %cond3A_6 : i32
    scf.if %cond3A_7 {
      "tpu.region"() ({
        %run_scoped3A = tpu.sem_alloc : memref<!tpu.dma_semaphore, #tpu.memory_space<semaphore_mem>>
        %dma_start3A = arith.constant 0 : i32
        %dma_start3A_23 = arith.constant 0 : i32
        %dma_start3A_24 = tpu.memref_slice %arg9[%dma_start3A, %dma_start3A_23] : memref<108x128xi32, #tpu.memory_space<vmem>> -> memref<50x128xi32, #tpu.memory_space<vmem>>
        %dma_start3A_25 = arith.constant 0 : i32
        %dma_start3A_26 = arith.constant 0 : i32
        %dma_start3A_27 = tpu.memref_slice %arg5[%arg1, %dma_start3A_25, %dma_start3A_26] : memref<16x50x128xi32, #tpu.memory_space<hbm>> -> memref<1x50x128xi32, #tpu.memory_space<hbm>>
        %dma_start3A_28 = tpu.memref_squeeze %dma_start3A_27 : memref<1x50x128xi32, #tpu.memory_space<hbm>> -> memref<50x128xi32, #tpu.memory_space<hbm>>
        %dma_start3A_29 = arith.constant 0 : i32
        %dma_start3A_30 = arith.constant 0 : i32
        %dma_start3A_31 = tpu.memref_slice %arg9[%dma_start3A_29, %dma_start3A_30] : memref<108x128xi32, #tpu.memory_space<vmem>> -> memref<50x128xi32, #tpu.memory_space<vmem>>
        %dma_start3A_32 = arith.constant 0 : i32
        %dma_start3A_33 = arith.constant 0 : i32
        %dma_start3A_34 = tpu.memref_slice %arg5[%arg1, %dma_start3A_32, %dma_start3A_33] : memref<16x50x128xi32, #tpu.memory_space<hbm>> -> memref<1x50x128xi32, #tpu.memory_space<hbm>>
        %dma_start3A_35 = tpu.memref_squeeze %dma_start3A_34 : memref<1x50x128xi32, #tpu.memory_space<hbm>> -> memref<50x128xi32, #tpu.memory_space<hbm>>
        tpu.enqueue_dma source(%dma_start3A_35 : memref<50x128xi32, #tpu.memory_space<hbm>>) target(%dma_start3A_31 : memref<50x128xi32, #tpu.memory_space<vmem>>) target_semaphore(%run_scoped3A : memref<!tpu.dma_semaphore, #tpu.memory_space<semaphore_mem>>)
        %dma_wait3A = arith.constant 0 : i32
        %dma_wait3A_36 = arith.constant 0 : i32
        %dma_wait3A_37 = tpu.memref_slice %arg9[%dma_wait3A, %dma_wait3A_36] : memref<108x128xi32, #tpu.memory_space<vmem>> -> memref<50x128xi32, #tpu.memory_space<vmem>>
        %dma_wait3A_38 = arith.constant 0 : i32
        %dma_wait3A_39 = arith.constant 0 : i32
        %dma_wait3A_40 = tpu.memref_slice %arg5[%arg1, %dma_wait3A_38, %dma_wait3A_39] : memref<16x50x128xi32, #tpu.memory_space<hbm>> -> memref<1x50x128xi32, #tpu.memory_space<hbm>>
        %dma_wait3A_41 = tpu.memref_squeeze %dma_wait3A_40 : memref<1x50x128xi32, #tpu.memory_space<hbm>> -> memref<50x128xi32, #tpu.memory_space<hbm>>
        %dma_wait3A_42 = arith.constant 0 : i32
        %dma_wait3A_43 = arith.constant 0 : i32
        %dma_wait3A_44 = tpu.memref_slice %arg9[%dma_wait3A_42, %dma_wait3A_43] : memref<108x128xi32, #tpu.memory_space<vmem>> -> memref<50x128xi32, #tpu.memory_space<vmem>>
        %dma_wait3A_45 = arith.constant 0 : i32
        %dma_wait3A_46 = arith.constant 0 : i32
        %dma_wait3A_47 = tpu.memref_slice %arg5[%arg1, %dma_wait3A_45, %dma_wait3A_46] : memref<16x50x128xi32, #tpu.memory_space<hbm>> -> memref<1x50x128xi32, #tpu.memory_space<hbm>>
        %dma_wait3A_48 = tpu.memref_squeeze %dma_wait3A_47 : memref<1x50x128xi32, #tpu.memory_space<hbm>> -> memref<50x128xi32, #tpu.memory_space<hbm>>
        tpu.wait_dma2 semaphore(%run_scoped3A : memref<!tpu.dma_semaphore, #tpu.memory_space<semaphore_mem>>) src(%dma_wait3A_48 : memref<50x128xi32, #tpu.memory_space<hbm>>) dst(%dma_wait3A_44 : memref<50x128xi32, #tpu.memory_space<vmem>>)
        tpu.yield
      }) : () -> ()
      "tpu.region"() ({
        %run_scoped3A = tpu.sem_alloc : memref<!tpu.dma_semaphore, #tpu.memory_space<semaphore_mem>>
        %dma_start3A = arith.constant 0 : i32
        %dma_start3A_23 = arith.constant 0 : i32
        %dma_start3A_24 = tpu.memref_slice %arg10[%dma_start3A, %dma_start3A_23] : memref<108x128xi32, #tpu.memory_space<vmem>> -> memref<50x128xi32, #tpu.memory_space<vmem>>
        %dma_start3A_25 = arith.constant 0 : i32
        %dma_start3A_26 = arith.constant 0 : i32
        %dma_start3A_27 = tpu.memref_slice %arg6[%arg1, %dma_start3A_25, %dma_start3A_26] : memref<16x50x128xi32, #tpu.memory_space<hbm>> -> memref<1x50x128xi32, #tpu.memory_space<hbm>>
        %dma_start3A_28 = tpu.memref_squeeze %dma_start3A_27 : memref<1x50x128xi32, #tpu.memory_space<hbm>> -> memref<50x128xi32, #tpu.memory_space<hbm>>
        %dma_start3A_29 = arith.constant 0 : i32
        %dma_start3A_30 = arith.constant 0 : i32
        %dma_start3A_31 = tpu.memref_slice %arg10[%dma_start3A_29, %dma_start3A_30] : memref<108x128xi32, #tpu.memory_space<vmem>> -> memref<50x128xi32, #tpu.memory_space<vmem>>
        %dma_start3A_32 = arith.constant 0 : i32
        %dma_start3A_33 = arith.constant 0 : i32
        %dma_start3A_34 = tpu.memref_slice %arg6[%arg1, %dma_start3A_32, %dma_start3A_33] : memref<16x50x128xi32, #tpu.memory_space<hbm>> -> memref<1x50x128xi32, #tpu.memory_space<hbm>>
        %dma_start3A_35 = tpu.memref_squeeze %dma_start3A_34 : memref<1x50x128xi32, #tpu.memory_space<hbm>> -> memref<50x128xi32, #tpu.memory_space<hbm>>
        tpu.enqueue_dma source(%dma_start3A_35 : memref<50x128xi32, #tpu.memory_space<hbm>>) target(%dma_start3A_31 : memref<50x128xi32, #tpu.memory_space<vmem>>) target_semaphore(%run_scoped3A : memref<!tpu.dma_semaphore, #tpu.memory_space<semaphore_mem>>)
        %dma_wait3A = arith.constant 0 : i32
        %dma_wait3A_36 = arith.constant 0 : i32
        %dma_wait3A_37 = tpu.memref_slice %arg10[%dma_wait3A, %dma_wait3A_36] : memref<108x128xi32, #tpu.memory_space<vmem>> -> memref<50x128xi32, #tpu.memory_space<vmem>>
        %dma_wait3A_38 = arith.constant 0 : i32
        %dma_wait3A_39 = arith.constant 0 : i32
        %dma_wait3A_40 = tpu.memref_slice %arg6[%arg1, %dma_wait3A_38, %dma_wait3A_39] : memref<16x50x128xi32, #tpu.memory_space<hbm>> -> memref<1x50x128xi32, #tpu.memory_space<hbm>>
        %dma_wait3A_41 = tpu.memref_squeeze %dma_wait3A_40 : memref<1x50x128xi32, #tpu.memory_space<hbm>> -> memref<50x128xi32, #tpu.memory_space<hbm>>
        %dma_wait3A_42 = arith.constant 0 : i32
        %dma_wait3A_43 = arith.constant 0 : i32
        %dma_wait3A_44 = tpu.memref_slice %arg10[%dma_wait3A_42, %dma_wait3A_43] : memref<108x128xi32, #tpu.memory_space<vmem>> -> memref<50x128xi32, #tpu.memory_space<vmem>>
        %dma_wait3A_45 = arith.constant 0 : i32
        %dma_wait3A_46 = arith.constant 0 : i32
        %dma_wait3A_47 = tpu.memref_slice %arg6[%arg1, %dma_wait3A_45, %dma_wait3A_46] : memref<16x50x128xi32, #tpu.memory_space<hbm>> -> memref<1x50x128xi32, #tpu.memory_space<hbm>>
        %dma_wait3A_48 = tpu.memref_squeeze %dma_wait3A_47 : memref<1x50x128xi32, #tpu.memory_space<hbm>> -> memref<50x128xi32, #tpu.memory_space<hbm>>
        tpu.wait_dma2 semaphore(%run_scoped3A : memref<!tpu.dma_semaphore, #tpu.memory_space<semaphore_mem>>) src(%dma_wait3A_48 : memref<50x128xi32, #tpu.memory_space<hbm>>) dst(%dma_wait3A_44 : memref<50x128xi32, #tpu.memory_space<vmem>>)
        tpu.yield
      }) : () -> ()
    } else {
    }
    %barrier3A = arith.constant 0 : index
    tpu.barrier barrier_id(%barrier3A)
    %eq3A_8 = arith.constant 0 : i32
    %eq3A_9 = arith.cmpi eq, %arg0, %eq3A_8 : i32
    %convert_element_type3A_10 = arith.extui %eq3A_9 : i1 to i32
    %cond3A_11 = arith.constant 0 : i32
    %cond3A_12 = arith.cmpi ne, %convert_element_type3A_10, %cond3A_11 : i32
    scf.if %cond3A_12 {
      %scan3A = arith.constant 0 : i32
      %scan3A_23 = arith.constant 108 : i32
      %scan3A_24 = arith.addi %scan3A, %scan3A_23 : i32
      %scan3A_25 = arith.constant 1 : i32
      scf.for %scan3A_27 = %scan3A to %scan3A_24 step %scan3A_25  : i32 {
        %mul3A_28 = arith.constant 1 : i32
        %mul3A_29 = arith.muli %scan3A_27, %mul3A_28 : i32
        %add3A = arith.constant 0 : i32
        %add3A_30 = arith.addi %add3A, %mul3A_29 : i32
        %dma_start3A = arith.constant 0 : i32
        %dma_start3A_31 = tpu.memref_slice %arg9[%add3A_30, %dma_start3A] : memref<108x128xi32, #tpu.memory_space<vmem>> -> memref<1x128xi32, #tpu.memory_space<vmem>>
        %dma_start3A_32 = tpu.memref_squeeze %dma_start3A_31 : memref<1x128xi32, #tpu.memory_space<vmem>> -> memref<128xi32, #tpu.memory_space<vmem>>
        %dma_start3A_33 = arith.constant 0 : i32
        %dma_start3A_34 = arith.constant 0 : i32
        %dma_start3A_35 = tpu.memref_slice %arg2[%dma_start3A_33, %dma_start3A_34] : memref<10240x128xf32, #tpu.memory_space<hbm>> -> memref<10240x128xf32, #tpu.memory_space<hbm>>
        tpu.enqueue_indirect_dma source(%dma_start3A_35 : memref<10240x128xf32, #tpu.memory_space<hbm>>) target(%arg11 : memref<128x128xf32, #tpu.memory_space<vmem>>) offsets(%dma_start3A_32 : memref<128xi32, #tpu.memory_space<vmem>>) semaphore(%arg13 : memref<!tpu.dma_semaphore, #tpu.memory_space<semaphore_mem>>)
        %dma_wait3A = arith.constant 0 : i32
        %dma_wait3A_36 = tpu.memref_slice %arg9[%add3A_30, %dma_wait3A] : memref<108x128xi32, #tpu.memory_space<vmem>> -> memref<1x128xi32, #tpu.memory_space<vmem>>
        %dma_wait3A_37 = tpu.memref_squeeze %dma_wait3A_36 : memref<1x128xi32, #tpu.memory_space<vmem>> -> memref<128xi32, #tpu.memory_space<vmem>>
        %dma_wait3A_38 = arith.constant 0 : i32
        %dma_wait3A_39 = arith.constant 0 : i32
        %dma_wait3A_40 = tpu.memref_slice %arg2[%dma_wait3A_38, %dma_wait3A_39] : memref<10240x128xf32, #tpu.memory_space<hbm>> -> memref<10240x128xf32, #tpu.memory_space<hbm>>
        tpu.wait_indirect_dma semaphore(%arg13 : memref<!tpu.dma_semaphore, #tpu.memory_space<semaphore_mem>>) src(%dma_wait3A_40 : memref<10240x128xf32, #tpu.memory_space<hbm>>) dst(%arg11 : memref<128x128xf32, #tpu.memory_space<vmem>>)
        "tpu.region"() ({
          %run_scoped3A = tpu.sem_alloc : memref<!tpu.dma_semaphore, #tpu.memory_space<semaphore_mem>>
          %dma_start3A_41 = arith.constant 0 : i32
          %dma_start3A_42 = tpu.memref_slice %arg10[%add3A_30, %dma_start3A_41] : memref<108x128xi32, #tpu.memory_space<vmem>> -> memref<1x128xi32, #tpu.memory_space<vmem>>
          %dma_start3A_43 = tpu.memref_squeeze %dma_start3A_42 : memref<1x128xi32, #tpu.memory_space<vmem>> -> memref<128xi32, #tpu.memory_space<vmem>>
          %dma_start3A_44 = arith.constant 0 : i32
          %dma_start3A_45 = arith.constant 0 : i32
          %dma_start3A_46 = tpu.memref_slice %arg12[%dma_start3A_44, %dma_start3A_45] : memref<10240x128xf32, #tpu.memory_space<vmem_shared>> -> memref<10240x128xf32, #tpu.memory_space<vmem_shared>>
          tpu.enqueue_indirect_dma source(%arg11 : memref<128x128xf32, #tpu.memory_space<vmem>>) target(%dma_start3A_46 : memref<10240x128xf32, #tpu.memory_space<vmem_shared>>) offsets(%dma_start3A_43 : memref<128xi32, #tpu.memory_space<vmem>>) semaphore(%run_scoped3A : memref<!tpu.dma_semaphore, #tpu.memory_space<semaphore_mem>>) {add = true}
          %dma_wait3A_47 = arith.constant 0 : i32
          %dma_wait3A_48 = tpu.memref_slice %arg10[%add3A_30, %dma_wait3A_47] : memref<108x128xi32, #tpu.memory_space<vmem>> -> memref<1x128xi32, #tpu.memory_space<vmem>>
          %dma_wait3A_49 = tpu.memref_squeeze %dma_wait3A_48 : memref<1x128xi32, #tpu.memory_space<vmem>> -> memref<128xi32, #tpu.memory_space<vmem>>
          %dma_wait3A_50 = arith.constant 0 : i32
          %dma_wait3A_51 = arith.constant 0 : i32
          %dma_wait3A_52 = tpu.memref_slice %arg12[%dma_wait3A_50, %dma_wait3A_51] : memref<10240x128xf32, #tpu.memory_space<vmem_shared>> -> memref<10240x128xf32, #tpu.memory_space<vmem_shared>>
          tpu.wait_indirect_dma semaphore(%run_scoped3A : memref<!tpu.dma_semaphore, #tpu.memory_space<semaphore_mem>>) src(%arg11 : memref<128x128xf32, #tpu.memory_space<vmem>>) dst(%dma_wait3A_52 : memref<10240x128xf32, #tpu.memory_space<vmem_shared>>)
          tpu.yield
        }) : () -> ()
      }
      %scan3A_26 = arith.constant 108 : i32
    } else {
    }
    %eq3A_13 = arith.constant 1 : i32
    %eq3A_14 = arith.cmpi eq, %arg0, %eq3A_13 : i32
    %convert_element_type3A_15 = arith.extui %eq3A_14 : i1 to i32
    %cond3A_16 = arith.constant 0 : i32
    %cond3A_17 = arith.cmpi ne, %convert_element_type3A_15, %cond3A_16 : i32
    scf.if %cond3A_17 {
      %scan3A = arith.constant 0 : i32
      %scan3A_23 = arith.constant 50 : i32
      %scan3A_24 = arith.addi %scan3A, %scan3A_23 : i32
      %scan3A_25 = arith.constant 1 : i32
      scf.for %scan3A_27 = %scan3A to %scan3A_24 step %scan3A_25  : i32 {
        %mul3A_28 = arith.constant 1 : i32
        %mul3A_29 = arith.muli %scan3A_27, %mul3A_28 : i32
        %add3A = arith.constant 0 : i32
        %add3A_30 = arith.addi %add3A, %mul3A_29 : i32
        %dma_start3A = arith.constant 0 : i32
        %dma_start3A_31 = tpu.memref_slice %arg9[%add3A_30, %dma_start3A] : memref<108x128xi32, #tpu.memory_space<vmem>> -> memref<1x128xi32, #tpu.memory_space<vmem>>
        %dma_start3A_32 = tpu.memref_squeeze %dma_start3A_31 : memref<1x128xi32, #tpu.memory_space<vmem>> -> memref<128xi32, #tpu.memory_space<vmem>>
        %dma_start3A_33 = arith.constant 0 : i32
        %dma_start3A_34 = arith.constant 0 : i32
        %dma_start3A_35 = tpu.memref_slice %arg2[%dma_start3A_33, %dma_start3A_34] : memref<10240x128xf32, #tpu.memory_space<hbm>> -> memref<10240x128xf32, #tpu.memory_space<hbm>>
        tpu.enqueue_indirect_dma source(%dma_start3A_35 : memref<10240x128xf32, #tpu.memory_space<hbm>>) target(%arg11 : memref<128x128xf32, #tpu.memory_space<vmem>>) offsets(%dma_start3A_32 : memref<128xi32, #tpu.memory_space<vmem>>) semaphore(%arg13 : memref<!tpu.dma_semaphore, #tpu.memory_space<semaphore_mem>>)
        %dma_wait3A = arith.constant 0 : i32
        %dma_wait3A_36 = tpu.memref_slice %arg9[%add3A_30, %dma_wait3A] : memref<108x128xi32, #tpu.memory_space<vmem>> -> memref<1x128xi32, #tpu.memory_space<vmem>>
        %dma_wait3A_37 = tpu.memref_squeeze %dma_wait3A_36 : memref<1x128xi32, #tpu.memory_space<vmem>> -> memref<128xi32, #tpu.memory_space<vmem>>
        %dma_wait3A_38 = arith.constant 0 : i32
        %dma_wait3A_39 = arith.constant 0 : i32
        %dma_wait3A_40 = tpu.memref_slice %arg2[%dma_wait3A_38, %dma_wait3A_39] : memref<10240x128xf32, #tpu.memory_space<hbm>> -> memref<10240x128xf32, #tpu.memory_space<hbm>>
        tpu.wait_indirect_dma semaphore(%arg13 : memref<!tpu.dma_semaphore, #tpu.memory_space<semaphore_mem>>) src(%dma_wait3A_40 : memref<10240x128xf32, #tpu.memory_space<hbm>>) dst(%arg11 : memref<128x128xf32, #tpu.memory_space<vmem>>)
        "tpu.region"() ({
          %run_scoped3A = tpu.sem_alloc : memref<!tpu.dma_semaphore, #tpu.memory_space<semaphore_mem>>
          %dma_start3A_41 = arith.constant 0 : i32
          %dma_start3A_42 = tpu.memref_slice %arg10[%add3A_30, %dma_start3A_41] : memref<108x128xi32, #tpu.memory_space<vmem>> -> memref<1x128xi32, #tpu.memory_space<vmem>>
          %dma_start3A_43 = tpu.memref_squeeze %dma_start3A_42 : memref<1x128xi32, #tpu.memory_space<vmem>> -> memref<128xi32, #tpu.memory_space<vmem>>
          %dma_start3A_44 = arith.constant 0 : i32
          %dma_start3A_45 = arith.constant 0 : i32
          %dma_start3A_46 = tpu.memref_slice %arg12[%dma_start3A_44, %dma_start3A_45] : memref<10240x128xf32, #tpu.memory_space<vmem_shared>> -> memref<10240x128xf32, #tpu.memory_space<vmem_shared>>
          tpu.enqueue_indirect_dma source(%arg11 : memref<128x128xf32, #tpu.memory_space<vmem>>) target(%dma_start3A_46 : memref<10240x128xf32, #tpu.memory_space<vmem_shared>>) offsets(%dma_start3A_43 : memref<128xi32, #tpu.memory_space<vmem>>) semaphore(%run_scoped3A : memref<!tpu.dma_semaphore, #tpu.memory_space<semaphore_mem>>) {add = true}
          %dma_wait3A_47 = arith.constant 0 : i32
          %dma_wait3A_48 = tpu.memref_slice %arg10[%add3A_30, %dma_wait3A_47] : memref<108x128xi32, #tpu.memory_space<vmem>> -> memref<1x128xi32, #tpu.memory_space<vmem>>
          %dma_wait3A_49 = tpu.memref_squeeze %dma_wait3A_48 : memref<1x128xi32, #tpu.memory_space<vmem>> -> memref<128xi32, #tpu.memory_space<vmem>>
          %dma_wait3A_50 = arith.constant 0 : i32
          %dma_wait3A_51 = arith.constant 0 : i32
          %dma_wait3A_52 = tpu.memref_slice %arg12[%dma_wait3A_50, %dma_wait3A_51] : memref<10240x128xf32, #tpu.memory_space<vmem_shared>> -> memref<10240x128xf32, #tpu.memory_space<vmem_shared>>
          tpu.wait_indirect_dma semaphore(%run_scoped3A : memref<!tpu.dma_semaphore, #tpu.memory_space<semaphore_mem>>) src(%arg11 : memref<128x128xf32, #tpu.memory_space<vmem>>) dst(%dma_wait3A_52 : memref<10240x128xf32, #tpu.memory_space<vmem_shared>>)
          tpu.yield
        }) : () -> ()
      }
      %scan3A_26 = arith.constant 50 : i32
    } else {
    }
    %barrier3A_18 = arith.constant 0 : index
    tpu.barrier barrier_id(%barrier3A_18)
    %mul3A_19 = arith.constant 640 : i32
    %mul3A_20 = arith.muli %arg1, %mul3A_19 : i32
    %mul3A_21 = arith.constant 640 : i32
    %mul3A_22 = arith.muli %arg1, %mul3A_21 : i32
    "tpu.region"() ({
      %run_scoped3A = tpu.sem_alloc : memref<!tpu.dma_semaphore, #tpu.memory_space<semaphore_mem>>
      %dma_start3A = arith.constant 0 : i32
      %dma_start3A_23 = tpu.memref_slice %arg8[%arg0, %mul3A_22, %dma_start3A] : memref<2x10240x128xf32, #tpu.memory_space<hbm>> -> memref<1x640x128xf32, #tpu.memory_space<hbm>>
      %dma_start3A_24 = tpu.memref_squeeze %dma_start3A_23 : memref<1x640x128xf32, #tpu.memory_space<hbm>> -> memref<640x128xf32, #tpu.memory_space<hbm>>
      %dma_start3A_25 = arith.constant 0 : i32
      %dma_start3A_26 = tpu.memref_slice %arg12[%mul3A_20, %dma_start3A_25] : memref<10240x128xf32, #tpu.memory_space<vmem_shared>> -> memref<640x128xf32, #tpu.memory_space<vmem_shared>>
      tpu.enqueue_dma source(%dma_start3A_26 : memref<640x128xf32, #tpu.memory_space<vmem_shared>>) target(%dma_start3A_24 : memref<640x128xf32, #tpu.memory_space<hbm>>) target_semaphore(%run_scoped3A : memref<!tpu.dma_semaphore, #tpu.memory_space<semaphore_mem>>)
      %dma_wait3A = arith.constant 0 : i32
      %dma_wait3A_27 = tpu.memref_slice %arg8[%arg0, %mul3A_22, %dma_wait3A] : memref<2x10240x128xf32, #tpu.memory_space<hbm>> -> memref<1x640x128xf32, #tpu.memory_space<hbm>>
      %dma_wait3A_28 = tpu.memref_squeeze %dma_wait3A_27 : memref<1x640x128xf32, #tpu.memory_space<hbm>> -> memref<640x128xf32, #tpu.memory_space<hbm>>
      %dma_wait3A_29 = arith.constant 0 : i32
      %dma_wait3A_30 = tpu.memref_slice %arg12[%mul3A_20, %dma_wait3A_29] : memref<10240x128xf32, #tpu.memory_space<vmem_shared>> -> memref<640x128xf32, #tpu.memory_space<vmem_shared>>
      tpu.wait_dma2 semaphore(%run_scoped3A : memref<!tpu.dma_semaphore, #tpu.memory_space<semaphore_mem>>) src(%dma_wait3A_30 : memref<640x128xf32, #tpu.memory_space<vmem_shared>>) dst(%dma_wait3A_28 : memref<640x128xf32, #tpu.memory_space<hbm>>)
      tpu.yield
    }) : () -> ()
    return
  }
}

#map = affine_map<(d0, d1) -> (0, 0)>
#map1 = affine_map<(d0, d1) -> (0, 0, 0)>
module attributes {stable_mosaic.version = 14 : i64} {
  func.func @k(%arg0: i32, %arg1: i32, %arg2: memref<10240x128xf32, #tpu.memory_space<hbm>>, %arg3: memref<16x108x128xi32, #tpu.memory_space<hbm>>, %arg4: memref<16x108x128xi32, #tpu.memory_space<hbm>>, %arg5: memref<16x50x128xi32, #tpu.memory_space<hbm>>, %arg6: memref<16x50x128xi32, #tpu.memory_space<hbm>>, %arg7: memref<640x128xf32, #tpu.memory_space<hbm>>, %arg8: memref<2x10240x128xf32, #tpu.memory_space<hbm>>, %arg9: memref<108x128xi32, #tpu.memory_space<vmem>>, %arg10: memref<108x128xi32, #tpu.memory_space<vmem>>, %arg11: memref<128x128xf32, #tpu.memory_space<vmem>>, %arg12: memref<10240x128xf32, #tpu.memory_space<vmem_shared>>, %arg13: memref<!tpu.dma_semaphore, #tpu.memory_space<semaphore_mem>>) attributes {dimension_semantics = [#tpu.dimension_semantics<core_parallel>, #tpu.dimension_semantics<subcore_parallel>], iteration_bounds = array<i64: 2, 16>, scalar_prefetch = 0 : i64, scratch_operands = 5 : i64, tpu.core_type = #tpu.core_type<sc_vector_subcore>, window_params = [{transform_indices = #map}, {transform_indices = #map1}, {transform_indices = #map1}, {transform_indices = #map1}, {transform_indices = #map1}, {transform_indices = #map}, {transform_indices = #map1}]} {
    %mul3A = arith.constant 640 : i32
    %mul3A_0 = arith.muli %arg1, %mul3A : i32
    "tpu.region"() ({
      %run_scoped3A = tpu.sem_alloc : memref<!tpu.dma_semaphore, #tpu.memory_space<semaphore_mem>>
      %dma_start3A = arith.constant 0 : i32
      %dma_start3A_23 = tpu.memref_slice %arg12[%mul3A_0, %dma_start3A] : memref<10240x128xf32, #tpu.memory_space<vmem_shared>> -> memref<640x128xf32, #tpu.memory_space<vmem_shared>>
      tpu.enqueue_dma source(%arg7 : memref<640x128xf32, #tpu.memory_space<hbm>>) target(%dma_start3A_23 : memref<640x128xf32, #tpu.memory_space<vmem_shared>>) target_semaphore(%run_scoped3A : memref<!tpu.dma_semaphore, #tpu.memory_space<semaphore_mem>>)
      %dma_wait3A = arith.constant 0 : i32
      %dma_wait3A_24 = tpu.memref_slice %arg12[%mul3A_0, %dma_wait3A] : memref<10240x128xf32, #tpu.memory_space<vmem_shared>> -> memref<640x128xf32, #tpu.memory_space<vmem_shared>>
      tpu.wait_dma2 semaphore(%run_scoped3A : memref<!tpu.dma_semaphore, #tpu.memory_space<semaphore_mem>>) src(%arg7 : memref<640x128xf32, #tpu.memory_space<hbm>>) dst(%dma_wait3A_24 : memref<640x128xf32, #tpu.memory_space<vmem_shared>>)
      tpu.yield
    }) : () -> ()
    %eq3A = arith.constant 0 : i32
    %eq3A_1 = arith.cmpi eq, %arg0, %eq3A : i32
    %convert_element_type3A = arith.extui %eq3A_1 : i1 to i32
    %cond3A = arith.constant 0 : i32
    %cond3A_2 = arith.cmpi ne, %convert_element_type3A, %cond3A : i32
    scf.if %cond3A_2 {
      "tpu.region"() ({
        %run_scoped3A = tpu.sem_alloc : memref<!tpu.dma_semaphore, #tpu.memory_space<semaphore_mem>>
        %dma_start3A = arith.constant 0 : i32
        %dma_start3A_23 = arith.constant 0 : i32
        %dma_start3A_24 = tpu.memref_slice %arg3[%arg1, %dma_start3A, %dma_start3A_23] : memref<16x108x128xi32, #tpu.memory_space<hbm>> -> memref<1x108x128xi32, #tpu.memory_space<hbm>>
        %dma_start3A_25 = tpu.memref_squeeze %dma_start3A_24 : memref<1x108x128xi32, #tpu.memory_space<hbm>> -> memref<108x128xi32, #tpu.memory_space<hbm>>
        %dma_start3A_26 = arith.constant 0 : i32
        %dma_start3A_27 = arith.constant 0 : i32
        %dma_start3A_28 = tpu.memref_slice %arg3[%arg1, %dma_start3A_26, %dma_start3A_27] : memref<16x108x128xi32, #tpu.memory_space<hbm>> -> memref<1x108x128xi32, #tpu.memory_space<hbm>>
        %dma_start3A_29 = tpu.memref_squeeze %dma_start3A_28 : memref<1x108x128xi32, #tpu.memory_space<hbm>> -> memref<108x128xi32, #tpu.memory_space<hbm>>
        tpu.enqueue_dma source(%dma_start3A_29 : memref<108x128xi32, #tpu.memory_space<hbm>>) target(%arg9 : memref<108x128xi32, #tpu.memory_space<vmem>>) target_semaphore(%run_scoped3A : memref<!tpu.dma_semaphore, #tpu.memory_space<semaphore_mem>>)
        %dma_wait3A = arith.constant 0 : i32
        %dma_wait3A_30 = arith.constant 0 : i32
        %dma_wait3A_31 = tpu.memref_slice %arg3[%arg1, %dma_wait3A, %dma_wait3A_30] : memref<16x108x128xi32, #tpu.memory_space<hbm>> -> memref<1x108x128xi32, #tpu.memory_space<hbm>>
        %dma_wait3A_32 = tpu.memref_squeeze %dma_wait3A_31 : memref<1x108x128xi32, #tpu.memory_space<hbm>> -> memref<108x128xi32, #tpu.memory_space<hbm>>
        %dma_wait3A_33 = arith.constant 0 : i32
        %dma_wait3A_34 = arith.constant 0 : i32
        %dma_wait3A_35 = tpu.memref_slice %arg3[%arg1, %dma_wait3A_33, %dma_wait3A_34] : memref<16x108x128xi32, #tpu.memory_space<hbm>> -> memref<1x108x128xi32, #tpu.memory_space<hbm>>
        %dma_wait3A_36 = tpu.memref_squeeze %dma_wait3A_35 : memref<1x108x128xi32, #tpu.memory_space<hbm>> -> memref<108x128xi32, #tpu.memory_space<hbm>>
        tpu.wait_dma2 semaphore(%run_scoped3A : memref<!tpu.dma_semaphore, #tpu.memory_space<semaphore_mem>>) src(%dma_wait3A_36 : memref<108x128xi32, #tpu.memory_space<hbm>>) dst(%arg9 : memref<108x128xi32, #tpu.memory_space<vmem>>)
        tpu.yield
      }) : () -> ()
      "tpu.region"() ({
        %run_scoped3A = tpu.sem_alloc : memref<!tpu.dma_semaphore, #tpu.memory_space<semaphore_mem>>
        %dma_start3A = arith.constant 0 : i32
        %dma_start3A_23 = arith.constant 0 : i32
        %dma_start3A_24 = tpu.memref_slice %arg4[%arg1, %dma_start3A, %dma_start3A_23] : memref<16x108x128xi32, #tpu.memory_space<hbm>> -> memref<1x108x128xi32, #tpu.memory_space<hbm>>
        %dma_start3A_25 = tpu.memref_squeeze %dma_start3A_24 : memref<1x108x128xi32, #tpu.memory_space<hbm>> -> memref<108x128xi32, #tpu.memory_space<hbm>>
        %dma_start3A_26 = arith.constant 0 : i32
        %dma_start3A_27 = arith.constant 0 : i32
        %dma_start3A_28 = tpu.memref_slice %arg4[%arg1, %dma_start3A_26, %dma_start3A_27] : memref<16x108x128xi32, #tpu.memory_space<hbm>> -> memref<1x108x128xi32, #tpu.memory_space<hbm>>
        %dma_start3A_29 = tpu.memref_squeeze %dma_start3A_28 : memref<1x108x128xi32, #tpu.memory_space<hbm>> -> memref<108x128xi32, #tpu.memory_space<hbm>>
        tpu.enqueue_dma source(%dma_start3A_29 : memref<108x128xi32, #tpu.memory_space<hbm>>) target(%arg10 : memref<108x128xi32, #tpu.memory_space<vmem>>) target_semaphore(%run_scoped3A : memref<!tpu.dma_semaphore, #tpu.memory_space<semaphore_mem>>)
        %dma_wait3A = arith.constant 0 : i32
        %dma_wait3A_30 = arith.constant 0 : i32
        %dma_wait3A_31 = tpu.memref_slice %arg4[%arg1, %dma_wait3A, %dma_wait3A_30] : memref<16x108x128xi32, #tpu.memory_space<hbm>> -> memref<1x108x128xi32, #tpu.memory_space<hbm>>
        %dma_wait3A_32 = tpu.memref_squeeze %dma_wait3A_31 : memref<1x108x128xi32, #tpu.memory_space<hbm>> -> memref<108x128xi32, #tpu.memory_space<hbm>>
        %dma_wait3A_33 = arith.constant 0 : i32
        %dma_wait3A_34 = arith.constant 0 : i32
        %dma_wait3A_35 = tpu.memref_slice %arg4[%arg1, %dma_wait3A_33, %dma_wait3A_34] : memref<16x108x128xi32, #tpu.memory_space<hbm>> -> memref<1x108x128xi32, #tpu.memory_space<hbm>>
        %dma_wait3A_36 = tpu.memref_squeeze %dma_wait3A_35 : memref<1x108x128xi32, #tpu.memory_space<hbm>> -> memref<108x128xi32, #tpu.memory_space<hbm>>
        tpu.wait_dma2 semaphore(%run_scoped3A : memref<!tpu.dma_semaphore, #tpu.memory_space<semaphore_mem>>) src(%dma_wait3A_36 : memref<108x128xi32, #tpu.memory_space<hbm>>) dst(%arg10 : memref<108x128xi32, #tpu.memory_space<vmem>>)
        tpu.yield
      }) : () -> ()
    } else {
    }
    %eq3A_3 = arith.constant 1 : i32
    %eq3A_4 = arith.cmpi eq, %arg0, %eq3A_3 : i32
    %convert_element_type3A_5 = arith.extui %eq3A_4 : i1 to i32
    %cond3A_6 = arith.constant 0 : i32
    %cond3A_7 = arith.cmpi ne, %convert_element_type3A_5, %cond3A_6 : i32
    scf.if %cond3A_7 {
      "tpu.region"() ({
        %run_scoped3A = tpu.sem_alloc : memref<!tpu.dma_semaphore, #tpu.memory_space<semaphore_mem>>
        %dma_start3A = arith.constant 0 : i32
        %dma_start3A_23 = arith.constant 0 : i32
        %dma_start3A_24 = tpu.memref_slice %arg9[%dma_start3A, %dma_start3A_23] : memref<108x128xi32, #tpu.memory_space<vmem>> -> memref<50x128xi32, #tpu.memory_space<vmem>>
        %dma_start3A_25 = arith.constant 0 : i32
        %dma_start3A_26 = arith.constant 0 : i32
        %dma_start3A_27 = tpu.memref_slice %arg5[%arg1, %dma_start3A_25, %dma_start3A_26] : memref<16x50x128xi32, #tpu.memory_space<hbm>> -> memref<1x50x128xi32, #tpu.memory_space<hbm>>
        %dma_start3A_28 = tpu.memref_squeeze %dma_start3A_27 : memref<1x50x128xi32, #tpu.memory_space<hbm>> -> memref<50x128xi32, #tpu.memory_space<hbm>>
        %dma_start3A_29 = arith.constant 0 : i32
        %dma_start3A_30 = arith.constant 0 : i32
        %dma_start3A_31 = tpu.memref_slice %arg9[%dma_start3A_29, %dma_start3A_30] : memref<108x128xi32, #tpu.memory_space<vmem>> -> memref<50x128xi32, #tpu.memory_space<vmem>>
        %dma_start3A_32 = arith.constant 0 : i32
        %dma_start3A_33 = arith.constant 0 : i32
        %dma_start3A_34 = tpu.memref_slice %arg5[%arg1, %dma_start3A_32, %dma_start3A_33] : memref<16x50x128xi32, #tpu.memory_space<hbm>> -> memref<1x50x128xi32, #tpu.memory_space<hbm>>
        %dma_start3A_35 = tpu.memref_squeeze %dma_start3A_34 : memref<1x50x128xi32, #tpu.memory_space<hbm>> -> memref<50x128xi32, #tpu.memory_space<hbm>>
        tpu.enqueue_dma source(%dma_start3A_35 : memref<50x128xi32, #tpu.memory_space<hbm>>) target(%dma_start3A_31 : memref<50x128xi32, #tpu.memory_space<vmem>>) target_semaphore(%run_scoped3A : memref<!tpu.dma_semaphore, #tpu.memory_space<semaphore_mem>>)
        %dma_wait3A = arith.constant 0 : i32
        %dma_wait3A_36 = arith.constant 0 : i32
        %dma_wait3A_37 = tpu.memref_slice %arg9[%dma_wait3A, %dma_wait3A_36] : memref<108x128xi32, #tpu.memory_space<vmem>> -> memref<50x128xi32, #tpu.memory_space<vmem>>
        %dma_wait3A_38 = arith.constant 0 : i32
        %dma_wait3A_39 = arith.constant 0 : i32
        %dma_wait3A_40 = tpu.memref_slice %arg5[%arg1, %dma_wait3A_38, %dma_wait3A_39] : memref<16x50x128xi32, #tpu.memory_space<hbm>> -> memref<1x50x128xi32, #tpu.memory_space<hbm>>
        %dma_wait3A_41 = tpu.memref_squeeze %dma_wait3A_40 : memref<1x50x128xi32, #tpu.memory_space<hbm>> -> memref<50x128xi32, #tpu.memory_space<hbm>>
        %dma_wait3A_42 = arith.constant 0 : i32
        %dma_wait3A_43 = arith.constant 0 : i32
        %dma_wait3A_44 = tpu.memref_slice %arg9[%dma_wait3A_42, %dma_wait3A_43] : memref<108x128xi32, #tpu.memory_space<vmem>> -> memref<50x128xi32, #tpu.memory_space<vmem>>
        %dma_wait3A_45 = arith.constant 0 : i32
        %dma_wait3A_46 = arith.constant 0 : i32
        %dma_wait3A_47 = tpu.memref_slice %arg5[%arg1, %dma_wait3A_45, %dma_wait3A_46] : memref<16x50x128xi32, #tpu.memory_space<hbm>> -> memref<1x50x128xi32, #tpu.memory_space<hbm>>
        %dma_wait3A_48 = tpu.memref_squeeze %dma_wait3A_47 : memref<1x50x128xi32, #tpu.memory_space<hbm>> -> memref<50x128xi32, #tpu.memory_space<hbm>>
        tpu.wait_dma2 semaphore(%run_scoped3A : memref<!tpu.dma_semaphore, #tpu.memory_space<semaphore_mem>>) src(%dma_wait3A_48 : memref<50x128xi32, #tpu.memory_space<hbm>>) dst(%dma_wait3A_44 : memref<50x128xi32, #tpu.memory_space<vmem>>)
        tpu.yield
      }) : () -> ()
      "tpu.region"() ({
        %run_scoped3A = tpu.sem_alloc : memref<!tpu.dma_semaphore, #tpu.memory_space<semaphore_mem>>
        %dma_start3A = arith.constant 0 : i32
        %dma_start3A_23 = arith.constant 0 : i32
        %dma_start3A_24 = tpu.memref_slice %arg10[%dma_start3A, %dma_start3A_23] : memref<108x128xi32, #tpu.memory_space<vmem>> -> memref<50x128xi32, #tpu.memory_space<vmem>>
        %dma_start3A_25 = arith.constant 0 : i32
        %dma_start3A_26 = arith.constant 0 : i32
        %dma_start3A_27 = tpu.memref_slice %arg6[%arg1, %dma_start3A_25, %dma_start3A_26] : memref<16x50x128xi32, #tpu.memory_space<hbm>> -> memref<1x50x128xi32, #tpu.memory_space<hbm>>
        %dma_start3A_28 = tpu.memref_squeeze %dma_start3A_27 : memref<1x50x128xi32, #tpu.memory_space<hbm>> -> memref<50x128xi32, #tpu.memory_space<hbm>>
        %dma_start3A_29 = arith.constant 0 : i32
        %dma_start3A_30 = arith.constant 0 : i32
        %dma_start3A_31 = tpu.memref_slice %arg10[%dma_start3A_29, %dma_start3A_30] : memref<108x128xi32, #tpu.memory_space<vmem>> -> memref<50x128xi32, #tpu.memory_space<vmem>>
        %dma_start3A_32 = arith.constant 0 : i32
        %dma_start3A_33 = arith.constant 0 : i32
        %dma_start3A_34 = tpu.memref_slice %arg6[%arg1, %dma_start3A_32, %dma_start3A_33] : memref<16x50x128xi32, #tpu.memory_space<hbm>> -> memref<1x50x128xi32, #tpu.memory_space<hbm>>
        %dma_start3A_35 = tpu.memref_squeeze %dma_start3A_34 : memref<1x50x128xi32, #tpu.memory_space<hbm>> -> memref<50x128xi32, #tpu.memory_space<hbm>>
        tpu.enqueue_dma source(%dma_start3A_35 : memref<50x128xi32, #tpu.memory_space<hbm>>) target(%dma_start3A_31 : memref<50x128xi32, #tpu.memory_space<vmem>>) target_semaphore(%run_scoped3A : memref<!tpu.dma_semaphore, #tpu.memory_space<semaphore_mem>>)
        %dma_wait3A = arith.constant 0 : i32
        %dma_wait3A_36 = arith.constant 0 : i32
        %dma_wait3A_37 = tpu.memref_slice %arg10[%dma_wait3A, %dma_wait3A_36] : memref<108x128xi32, #tpu.memory_space<vmem>> -> memref<50x128xi32, #tpu.memory_space<vmem>>
        %dma_wait3A_38 = arith.constant 0 : i32
        %dma_wait3A_39 = arith.constant 0 : i32
        %dma_wait3A_40 = tpu.memref_slice %arg6[%arg1, %dma_wait3A_38, %dma_wait3A_39] : memref<16x50x128xi32, #tpu.memory_space<hbm>> -> memref<1x50x128xi32, #tpu.memory_space<hbm>>
        %dma_wait3A_41 = tpu.memref_squeeze %dma_wait3A_40 : memref<1x50x128xi32, #tpu.memory_space<hbm>> -> memref<50x128xi32, #tpu.memory_space<hbm>>
        %dma_wait3A_42 = arith.constant 0 : i32
        %dma_wait3A_43 = arith.constant 0 : i32
        %dma_wait3A_44 = tpu.memref_slice %arg10[%dma_wait3A_42, %dma_wait3A_43] : memref<108x128xi32, #tpu.memory_space<vmem>> -> memref<50x128xi32, #tpu.memory_space<vmem>>
        %dma_wait3A_45 = arith.constant 0 : i32
        %dma_wait3A_46 = arith.constant 0 : i32
        %dma_wait3A_47 = tpu.memref_slice %arg6[%arg1, %dma_wait3A_45, %dma_wait3A_46] : memref<16x50x128xi32, #tpu.memory_space<hbm>> -> memref<1x50x128xi32, #tpu.memory_space<hbm>>
        %dma_wait3A_48 = tpu.memref_squeeze %dma_wait3A_47 : memref<1x50x128xi32, #tpu.memory_space<hbm>> -> memref<50x128xi32, #tpu.memory_space<hbm>>
        tpu.wait_dma2 semaphore(%run_scoped3A : memref<!tpu.dma_semaphore, #tpu.memory_space<semaphore_mem>>) src(%dma_wait3A_48 : memref<50x128xi32, #tpu.memory_space<hbm>>) dst(%dma_wait3A_44 : memref<50x128xi32, #tpu.memory_space<vmem>>)
        tpu.yield
      }) : () -> ()
    } else {
    }
    %barrier3A = arith.constant 0 : index
    tpu.barrier barrier_id(%barrier3A)
    %eq3A_8 = arith.constant 0 : i32
    %eq3A_9 = arith.cmpi eq, %arg0, %eq3A_8 : i32
    %convert_element_type3A_10 = arith.extui %eq3A_9 : i1 to i32
    %cond3A_11 = arith.constant 0 : i32
    %cond3A_12 = arith.cmpi ne, %convert_element_type3A_10, %cond3A_11 : i32
    scf.if %cond3A_12 {
      %scan3A = arith.constant 0 : i32
      %scan3A_23 = arith.constant 108 : i32
      %scan3A_24 = arith.addi %scan3A, %scan3A_23 : i32
      %scan3A_25 = arith.constant 1 : i32
      scf.for %scan3A_27 = %scan3A to %scan3A_24 step %scan3A_25  : i32 {
        %mul3A_28 = arith.constant 1 : i32
        %mul3A_29 = arith.muli %scan3A_27, %mul3A_28 : i32
        %add3A = arith.constant 0 : i32
        %add3A_30 = arith.addi %add3A, %mul3A_29 : i32
        %dma_start3A = arith.constant 0 : i32
        %dma_start3A_31 = tpu.memref_slice %arg9[%add3A_30, %dma_start3A] : memref<108x128xi32, #tpu.memory_space<vmem>> -> memref<1x128xi32, #tpu.memory_space<vmem>>
        %dma_start3A_32 = tpu.memref_squeeze %dma_start3A_31 : memref<1x128xi32, #tpu.memory_space<vmem>> -> memref<128xi32, #tpu.memory_space<vmem>>
        %dma_start3A_33 = arith.constant 0 : i32
        %dma_start3A_34 = arith.constant 0 : i32
        %dma_start3A_35 = tpu.memref_slice %arg2[%dma_start3A_33, %dma_start3A_34] : memref<10240x128xf32, #tpu.memory_space<hbm>> -> memref<10240x128xf32, #tpu.memory_space<hbm>>
        tpu.enqueue_indirect_dma source(%dma_start3A_35 : memref<10240x128xf32, #tpu.memory_space<hbm>>) target(%arg11 : memref<128x128xf32, #tpu.memory_space<vmem>>) offsets(%dma_start3A_32 : memref<128xi32, #tpu.memory_space<vmem>>) semaphore(%arg13 : memref<!tpu.dma_semaphore, #tpu.memory_space<semaphore_mem>>)
        %dma_wait3A = arith.constant 0 : i32
        %dma_wait3A_36 = tpu.memref_slice %arg9[%add3A_30, %dma_wait3A] : memref<108x128xi32, #tpu.memory_space<vmem>> -> memref<1x128xi32, #tpu.memory_space<vmem>>
        %dma_wait3A_37 = tpu.memref_squeeze %dma_wait3A_36 : memref<1x128xi32, #tpu.memory_space<vmem>> -> memref<128xi32, #tpu.memory_space<vmem>>
        %dma_wait3A_38 = arith.constant 0 : i32
        %dma_wait3A_39 = arith.constant 0 : i32
        %dma_wait3A_40 = tpu.memref_slice %arg2[%dma_wait3A_38, %dma_wait3A_39] : memref<10240x128xf32, #tpu.memory_space<hbm>> -> memref<10240x128xf32, #tpu.memory_space<hbm>>
        tpu.wait_indirect_dma semaphore(%arg13 : memref<!tpu.dma_semaphore, #tpu.memory_space<semaphore_mem>>) src(%dma_wait3A_40 : memref<10240x128xf32, #tpu.memory_space<hbm>>) dst(%arg11 : memref<128x128xf32, #tpu.memory_space<vmem>>)
        "tpu.region"() ({
          %run_scoped3A = tpu.sem_alloc : memref<!tpu.dma_semaphore, #tpu.memory_space<semaphore_mem>>
          %dma_start3A_41 = arith.constant 0 : i32
          %dma_start3A_42 = tpu.memref_slice %arg10[%add3A_30, %dma_start3A_41] : memref<108x128xi32, #tpu.memory_space<vmem>> -> memref<1x128xi32, #tpu.memory_space<vmem>>
          %dma_start3A_43 = tpu.memref_squeeze %dma_start3A_42 : memref<1x128xi32, #tpu.memory_space<vmem>> -> memref<128xi32, #tpu.memory_space<vmem>>
          %dma_start3A_44 = arith.constant 0 : i32
          %dma_start3A_45 = arith.constant 0 : i32
          %dma_start3A_46 = tpu.memref_slice %arg12[%dma_start3A_44, %dma_start3A_45] : memref<10240x128xf32, #tpu.memory_space<vmem_shared>> -> memref<10240x128xf32, #tpu.memory_space<vmem_shared>>
          tpu.enqueue_indirect_dma source(%arg11 : memref<128x128xf32, #tpu.memory_space<vmem>>) target(%dma_start3A_46 : memref<10240x128xf32, #tpu.memory_space<vmem_shared>>) offsets(%dma_start3A_43 : memref<128xi32, #tpu.memory_space<vmem>>) semaphore(%run_scoped3A : memref<!tpu.dma_semaphore, #tpu.memory_space<semaphore_mem>>) {add = true}
          %dma_wait3A_47 = arith.constant 0 : i32
          %dma_wait3A_48 = tpu.memref_slice %arg10[%add3A_30, %dma_wait3A_47] : memref<108x128xi32, #tpu.memory_space<vmem>> -> memref<1x128xi32, #tpu.memory_space<vmem>>
          %dma_wait3A_49 = tpu.memref_squeeze %dma_wait3A_48 : memref<1x128xi32, #tpu.memory_space<vmem>> -> memref<128xi32, #tpu.memory_space<vmem>>
          %dma_wait3A_50 = arith.constant 0 : i32
          %dma_wait3A_51 = arith.constant 0 : i32
          %dma_wait3A_52 = tpu.memref_slice %arg12[%dma_wait3A_50, %dma_wait3A_51] : memref<10240x128xf32, #tpu.memory_space<vmem_shared>> -> memref<10240x128xf32, #tpu.memory_space<vmem_shared>>
          tpu.wait_indirect_dma semaphore(%run_scoped3A : memref<!tpu.dma_semaphore, #tpu.memory_space<semaphore_mem>>) src(%arg11 : memref<128x128xf32, #tpu.memory_space<vmem>>) dst(%dma_wait3A_52 : memref<10240x128xf32, #tpu.memory_space<vmem_shared>>)
          tpu.yield
        }) : () -> ()
      }
      %scan3A_26 = arith.constant 108 : i32
    } else {
    }
    %eq3A_13 = arith.constant 1 : i32
    %eq3A_14 = arith.cmpi eq, %arg0, %eq3A_13 : i32
    %convert_element_type3A_15 = arith.extui %eq3A_14 : i1 to i32
    %cond3A_16 = arith.constant 0 : i32
    %cond3A_17 = arith.cmpi ne, %convert_element_type3A_15, %cond3A_16 : i32
    scf.if %cond3A_17 {
      %scan3A = arith.constant 0 : i32
      %scan3A_23 = arith.constant 50 : i32
      %scan3A_24 = arith.addi %scan3A, %scan3A_23 : i32
      %scan3A_25 = arith.constant 1 : i32
      scf.for %scan3A_27 = %scan3A to %scan3A_24 step %scan3A_25  : i32 {
        %mul3A_28 = arith.constant 1 : i32
        %mul3A_29 = arith.muli %scan3A_27, %mul3A_28 : i32
        %add3A = arith.constant 0 : i32
        %add3A_30 = arith.addi %add3A, %mul3A_29 : i32
        %dma_start3A = arith.constant 0 : i32
        %dma_start3A_31 = tpu.memref_slice %arg9[%add3A_30, %dma_start3A] : memref<108x128xi32, #tpu.memory_space<vmem>> -> memref<1x128xi32, #tpu.memory_space<vmem>>
        %dma_start3A_32 = tpu.memref_squeeze %dma_start3A_31 : memref<1x128xi32, #tpu.memory_space<vmem>> -> memref<128xi32, #tpu.memory_space<vmem>>
        %dma_start3A_33 = arith.constant 0 : i32
        %dma_start3A_34 = arith.constant 0 : i32
        %dma_start3A_35 = tpu.memref_slice %arg2[%dma_start3A_33, %dma_start3A_34] : memref<10240x128xf32, #tpu.memory_space<hbm>> -> memref<10240x128xf32, #tpu.memory_space<hbm>>
        tpu.enqueue_indirect_dma source(%dma_start3A_35 : memref<10240x128xf32, #tpu.memory_space<hbm>>) target(%arg11 : memref<128x128xf32, #tpu.memory_space<vmem>>) offsets(%dma_start3A_32 : memref<128xi32, #tpu.memory_space<vmem>>) semaphore(%arg13 : memref<!tpu.dma_semaphore, #tpu.memory_space<semaphore_mem>>)
        %dma_wait3A = arith.constant 0 : i32
        %dma_wait3A_36 = tpu.memref_slice %arg9[%add3A_30, %dma_wait3A] : memref<108x128xi32, #tpu.memory_space<vmem>> -> memref<1x128xi32, #tpu.memory_space<vmem>>
        %dma_wait3A_37 = tpu.memref_squeeze %dma_wait3A_36 : memref<1x128xi32, #tpu.memory_space<vmem>> -> memref<128xi32, #tpu.memory_space<vmem>>
        %dma_wait3A_38 = arith.constant 0 : i32
        %dma_wait3A_39 = arith.constant 0 : i32
        %dma_wait3A_40 = tpu.memref_slice %arg2[%dma_wait3A_38, %dma_wait3A_39] : memref<10240x128xf32, #tpu.memory_space<hbm>> -> memref<10240x128xf32, #tpu.memory_space<hbm>>
        tpu.wait_indirect_dma semaphore(%arg13 : memref<!tpu.dma_semaphore, #tpu.memory_space<semaphore_mem>>) src(%dma_wait3A_40 : memref<10240x128xf32, #tpu.memory_space<hbm>>) dst(%arg11 : memref<128x128xf32, #tpu.memory_space<vmem>>)
        "tpu.region"() ({
          %run_scoped3A = tpu.sem_alloc : memref<!tpu.dma_semaphore, #tpu.memory_space<semaphore_mem>>
          %dma_start3A_41 = arith.constant 0 : i32
          %dma_start3A_42 = tpu.memref_slice %arg10[%add3A_30, %dma_start3A_41] : memref<108x128xi32, #tpu.memory_space<vmem>> -> memref<1x128xi32, #tpu.memory_space<vmem>>
          %dma_start3A_43 = tpu.memref_squeeze %dma_start3A_42 : memref<1x128xi32, #tpu.memory_space<vmem>> -> memref<128xi32, #tpu.memory_space<vmem>>
          %dma_start3A_44 = arith.constant 0 : i32
          %dma_start3A_45 = arith.constant 0 : i32
          %dma_start3A_46 = tpu.memref_slice %arg12[%dma_start3A_44, %dma_start3A_45] : memref<10240x128xf32, #tpu.memory_space<vmem_shared>> -> memref<10240x128xf32, #tpu.memory_space<vmem_shared>>
          tpu.enqueue_indirect_dma source(%arg11 : memref<128x128xf32, #tpu.memory_space<vmem>>) target(%dma_start3A_46 : memref<10240x128xf32, #tpu.memory_space<vmem_shared>>) offsets(%dma_start3A_43 : memref<128xi32, #tpu.memory_space<vmem>>) semaphore(%run_scoped3A : memref<!tpu.dma_semaphore, #tpu.memory_space<semaphore_mem>>) {add = true}
          %dma_wait3A_47 = arith.constant 0 : i32
          %dma_wait3A_48 = tpu.memref_slice %arg10[%add3A_30, %dma_wait3A_47] : memref<108x128xi32, #tpu.memory_space<vmem>> -> memref<1x128xi32, #tpu.memory_space<vmem>>
          %dma_wait3A_49 = tpu.memref_squeeze %dma_wait3A_48 : memref<1x128xi32, #tpu.memory_space<vmem>> -> memref<128xi32, #tpu.memory_space<vmem>>
          %dma_wait3A_50 = arith.constant 0 : i32
          %dma_wait3A_51 = arith.constant 0 : i32
          %dma_wait3A_52 = tpu.memref_slice %arg12[%dma_wait3A_50, %dma_wait3A_51] : memref<10240x128xf32, #tpu.memory_space<vmem_shared>> -> memref<10240x128xf32, #tpu.memory_space<vmem_shared>>
          tpu.wait_indirect_dma semaphore(%run_scoped3A : memref<!tpu.dma_semaphore, #tpu.memory_space<semaphore_mem>>) src(%arg11 : memref<128x128xf32, #tpu.memory_space<vmem>>) dst(%dma_wait3A_52 : memref<10240x128xf32, #tpu.memory_space<vmem_shared>>)
          tpu.yield
        }) : () -> ()
      }
      %scan3A_26 = arith.constant 50 : i32
    } else {
    }
    %barrier3A_18 = arith.constant 0 : index
    tpu.barrier barrier_id(%barrier3A_18)
    %mul3A_19 = arith.constant 640 : i32
    %mul3A_20 = arith.muli %arg1, %mul3A_19 : i32
    %mul3A_21 = arith.constant 640 : i32
    %mul3A_22 = arith.muli %arg1, %mul3A_21 : i32
    "tpu.region"() ({
      %run_scoped3A = tpu.sem_alloc : memref<!tpu.dma_semaphore, #tpu.memory_space<semaphore_mem>>
      %dma_start3A = arith.constant 0 : i32
      %dma_start3A_23 = tpu.memref_slice %arg8[%arg0, %mul3A_22, %dma_start3A] : memref<2x10240x128xf32, #tpu.memory_space<hbm>> -> memref<1x640x128xf32, #tpu.memory_space<hbm>>
      %dma_start3A_24 = tpu.memref_squeeze %dma_start3A_23 : memref<1x640x128xf32, #tpu.memory_space<hbm>> -> memref<640x128xf32, #tpu.memory_space<hbm>>
      %dma_start3A_25 = arith.constant 0 : i32
      %dma_start3A_26 = tpu.memref_slice %arg12[%mul3A_20, %dma_start3A_25] : memref<10240x128xf32, #tpu.memory_space<vmem_shared>> -> memref<640x128xf32, #tpu.memory_space<vmem_shared>>
      tpu.enqueue_dma source(%dma_start3A_26 : memref<640x128xf32, #tpu.memory_space<vmem_shared>>) target(%dma_start3A_24 : memref<640x128xf32, #tpu.memory_space<hbm>>) target_semaphore(%run_scoped3A : memref<!tpu.dma_semaphore, #tpu.memory_space<semaphore_mem>>)
      %dma_wait3A = arith.constant 0 : i32
      %dma_wait3A_27 = tpu.memref_slice %arg8[%arg0, %mul3A_22, %dma_wait3A] : memref<2x10240x128xf32, #tpu.memory_space<hbm>> -> memref<1x640x128xf32, #tpu.memory_space<hbm>>
      %dma_wait3A_28 = tpu.memref_squeeze %dma_wait3A_27 : memref<1x640x128xf32, #tpu.memory_space<hbm>> -> memref<640x128xf32, #tpu.memory_space<hbm>>
      %dma_wait3A_29 = arith.constant 0 : i32
      %dma_wait3A_30 = tpu.memref_slice %arg12[%mul3A_20, %dma_wait3A_29] : memref<10240x128xf32, #tpu.memory_space<vmem_shared>> -> memref<640x128xf32, #tpu.memory_space<vmem_shared>>
      tpu.wait_dma2 semaphore(%run_scoped3A : memref<!tpu.dma_semaphore, #tpu.memory_space<semaphore_mem>>) src(%dma_wait3A_30 : memref<640x128xf32, #tpu.memory_space<vmem_shared>>) dst(%dma_wait3A_28 : memref<640x128xf32, #tpu.memory_space<hbm>>)
      tpu.yield
    }) : () -> ()
    return
  }
}

#map = affine_map<(d0, d1) -> (0, 0)>
#map1 = affine_map<(d0, d1) -> (0, 0, 0)>
module attributes {stable_mosaic.version = 14 : i64} {
  func.func @k(%arg0: i32, %arg1: i32, %arg2: memref<10240x128xf32, #tpu.memory_space<hbm>>, %arg3: memref<16x108x128xi32, #tpu.memory_space<hbm>>, %arg4: memref<16x108x128xi32, #tpu.memory_space<hbm>>, %arg5: memref<16x50x128xi32, #tpu.memory_space<hbm>>, %arg6: memref<16x50x128xi32, #tpu.memory_space<hbm>>, %arg7: memref<640x128xf32, #tpu.memory_space<hbm>>, %arg8: memref<2x10240x128xf32, #tpu.memory_space<hbm>>, %arg9: memref<108x128xi32, #tpu.memory_space<vmem>>, %arg10: memref<108x128xi32, #tpu.memory_space<vmem>>, %arg11: memref<128x128xf32, #tpu.memory_space<vmem>>, %arg12: memref<10240x128xf32, #tpu.memory_space<vmem_shared>>, %arg13: memref<!tpu.dma_semaphore, #tpu.memory_space<semaphore_mem>>) attributes {dimension_semantics = [#tpu.dimension_semantics<core_parallel>, #tpu.dimension_semantics<subcore_parallel>], iteration_bounds = array<i64: 2, 16>, scalar_prefetch = 0 : i64, scratch_operands = 5 : i64, tpu.core_type = #tpu.core_type<sc_vector_subcore>, window_params = [{transform_indices = #map}, {transform_indices = #map1}, {transform_indices = #map1}, {transform_indices = #map1}, {transform_indices = #map1}, {transform_indices = #map}, {transform_indices = #map1}]} {
    %mul3A = arith.constant 640 : i32
    %mul3A_0 = arith.muli %arg1, %mul3A : i32
    "tpu.region"() ({
      %run_scoped3A = tpu.sem_alloc : memref<!tpu.dma_semaphore, #tpu.memory_space<semaphore_mem>>
      %dma_start3A = arith.constant 0 : i32
      %dma_start3A_23 = tpu.memref_slice %arg12[%mul3A_0, %dma_start3A] : memref<10240x128xf32, #tpu.memory_space<vmem_shared>> -> memref<640x128xf32, #tpu.memory_space<vmem_shared>>
      tpu.enqueue_dma source(%arg7 : memref<640x128xf32, #tpu.memory_space<hbm>>) target(%dma_start3A_23 : memref<640x128xf32, #tpu.memory_space<vmem_shared>>) target_semaphore(%run_scoped3A : memref<!tpu.dma_semaphore, #tpu.memory_space<semaphore_mem>>)
      %dma_wait3A = arith.constant 0 : i32
      %dma_wait3A_24 = tpu.memref_slice %arg12[%mul3A_0, %dma_wait3A] : memref<10240x128xf32, #tpu.memory_space<vmem_shared>> -> memref<640x128xf32, #tpu.memory_space<vmem_shared>>
      tpu.wait_dma2 semaphore(%run_scoped3A : memref<!tpu.dma_semaphore, #tpu.memory_space<semaphore_mem>>) src(%arg7 : memref<640x128xf32, #tpu.memory_space<hbm>>) dst(%dma_wait3A_24 : memref<640x128xf32, #tpu.memory_space<vmem_shared>>)
      tpu.yield
    }) : () -> ()
    %eq3A = arith.constant 0 : i32
    %eq3A_1 = arith.cmpi eq, %arg0, %eq3A : i32
    %convert_element_type3A = arith.extui %eq3A_1 : i1 to i32
    %cond3A = arith.constant 0 : i32
    %cond3A_2 = arith.cmpi ne, %convert_element_type3A, %cond3A : i32
    scf.if %cond3A_2 {
      "tpu.region"() ({
        %run_scoped3A = tpu.sem_alloc : memref<!tpu.dma_semaphore, #tpu.memory_space<semaphore_mem>>
        %dma_start3A = arith.constant 0 : i32
        %dma_start3A_23 = arith.constant 0 : i32
        %dma_start3A_24 = tpu.memref_slice %arg3[%arg1, %dma_start3A, %dma_start3A_23] : memref<16x108x128xi32, #tpu.memory_space<hbm>> -> memref<1x108x128xi32, #tpu.memory_space<hbm>>
        %dma_start3A_25 = tpu.memref_squeeze %dma_start3A_24 : memref<1x108x128xi32, #tpu.memory_space<hbm>> -> memref<108x128xi32, #tpu.memory_space<hbm>>
        %dma_start3A_26 = arith.constant 0 : i32
        %dma_start3A_27 = arith.constant 0 : i32
        %dma_start3A_28 = tpu.memref_slice %arg3[%arg1, %dma_start3A_26, %dma_start3A_27] : memref<16x108x128xi32, #tpu.memory_space<hbm>> -> memref<1x108x128xi32, #tpu.memory_space<hbm>>
        %dma_start3A_29 = tpu.memref_squeeze %dma_start3A_28 : memref<1x108x128xi32, #tpu.memory_space<hbm>> -> memref<108x128xi32, #tpu.memory_space<hbm>>
        tpu.enqueue_dma source(%dma_start3A_29 : memref<108x128xi32, #tpu.memory_space<hbm>>) target(%arg9 : memref<108x128xi32, #tpu.memory_space<vmem>>) target_semaphore(%run_scoped3A : memref<!tpu.dma_semaphore, #tpu.memory_space<semaphore_mem>>)
        %dma_wait3A = arith.constant 0 : i32
        %dma_wait3A_30 = arith.constant 0 : i32
        %dma_wait3A_31 = tpu.memref_slice %arg3[%arg1, %dma_wait3A, %dma_wait3A_30] : memref<16x108x128xi32, #tpu.memory_space<hbm>> -> memref<1x108x128xi32, #tpu.memory_space<hbm>>
        %dma_wait3A_32 = tpu.memref_squeeze %dma_wait3A_31 : memref<1x108x128xi32, #tpu.memory_space<hbm>> -> memref<108x128xi32, #tpu.memory_space<hbm>>
        %dma_wait3A_33 = arith.constant 0 : i32
        %dma_wait3A_34 = arith.constant 0 : i32
        %dma_wait3A_35 = tpu.memref_slice %arg3[%arg1, %dma_wait3A_33, %dma_wait3A_34] : memref<16x108x128xi32, #tpu.memory_space<hbm>> -> memref<1x108x128xi32, #tpu.memory_space<hbm>>
        %dma_wait3A_36 = tpu.memref_squeeze %dma_wait3A_35 : memref<1x108x128xi32, #tpu.memory_space<hbm>> -> memref<108x128xi32, #tpu.memory_space<hbm>>
        tpu.wait_dma2 semaphore(%run_scoped3A : memref<!tpu.dma_semaphore, #tpu.memory_space<semaphore_mem>>) src(%dma_wait3A_36 : memref<108x128xi32, #tpu.memory_space<hbm>>) dst(%arg9 : memref<108x128xi32, #tpu.memory_space<vmem>>)
        tpu.yield
      }) : () -> ()
      "tpu.region"() ({
        %run_scoped3A = tpu.sem_alloc : memref<!tpu.dma_semaphore, #tpu.memory_space<semaphore_mem>>
        %dma_start3A = arith.constant 0 : i32
        %dma_start3A_23 = arith.constant 0 : i32
        %dma_start3A_24 = tpu.memref_slice %arg4[%arg1, %dma_start3A, %dma_start3A_23] : memref<16x108x128xi32, #tpu.memory_space<hbm>> -> memref<1x108x128xi32, #tpu.memory_space<hbm>>
        %dma_start3A_25 = tpu.memref_squeeze %dma_start3A_24 : memref<1x108x128xi32, #tpu.memory_space<hbm>> -> memref<108x128xi32, #tpu.memory_space<hbm>>
        %dma_start3A_26 = arith.constant 0 : i32
        %dma_start3A_27 = arith.constant 0 : i32
        %dma_start3A_28 = tpu.memref_slice %arg4[%arg1, %dma_start3A_26, %dma_start3A_27] : memref<16x108x128xi32, #tpu.memory_space<hbm>> -> memref<1x108x128xi32, #tpu.memory_space<hbm>>
        %dma_start3A_29 = tpu.memref_squeeze %dma_start3A_28 : memref<1x108x128xi32, #tpu.memory_space<hbm>> -> memref<108x128xi32, #tpu.memory_space<hbm>>
        tpu.enqueue_dma source(%dma_start3A_29 : memref<108x128xi32, #tpu.memory_space<hbm>>) target(%arg10 : memref<108x128xi32, #tpu.memory_space<vmem>>) target_semaphore(%run_scoped3A : memref<!tpu.dma_semaphore, #tpu.memory_space<semaphore_mem>>)
        %dma_wait3A = arith.constant 0 : i32
        %dma_wait3A_30 = arith.constant 0 : i32
        %dma_wait3A_31 = tpu.memref_slice %arg4[%arg1, %dma_wait3A, %dma_wait3A_30] : memref<16x108x128xi32, #tpu.memory_space<hbm>> -> memref<1x108x128xi32, #tpu.memory_space<hbm>>
        %dma_wait3A_32 = tpu.memref_squeeze %dma_wait3A_31 : memref<1x108x128xi32, #tpu.memory_space<hbm>> -> memref<108x128xi32, #tpu.memory_space<hbm>>
        %dma_wait3A_33 = arith.constant 0 : i32
        %dma_wait3A_34 = arith.constant 0 : i32
        %dma_wait3A_35 = tpu.memref_slice %arg4[%arg1, %dma_wait3A_33, %dma_wait3A_34] : memref<16x108x128xi32, #tpu.memory_space<hbm>> -> memref<1x108x128xi32, #tpu.memory_space<hbm>>
        %dma_wait3A_36 = tpu.memref_squeeze %dma_wait3A_35 : memref<1x108x128xi32, #tpu.memory_space<hbm>> -> memref<108x128xi32, #tpu.memory_space<hbm>>
        tpu.wait_dma2 semaphore(%run_scoped3A : memref<!tpu.dma_semaphore, #tpu.memory_space<semaphore_mem>>) src(%dma_wait3A_36 : memref<108x128xi32, #tpu.memory_space<hbm>>) dst(%arg10 : memref<108x128xi32, #tpu.memory_space<vmem>>)
        tpu.yield
      }) : () -> ()
    } else {
    }
    %eq3A_3 = arith.constant 1 : i32
    %eq3A_4 = arith.cmpi eq, %arg0, %eq3A_3 : i32
    %convert_element_type3A_5 = arith.extui %eq3A_4 : i1 to i32
    %cond3A_6 = arith.constant 0 : i32
    %cond3A_7 = arith.cmpi ne, %convert_element_type3A_5, %cond3A_6 : i32
    scf.if %cond3A_7 {
      "tpu.region"() ({
        %run_scoped3A = tpu.sem_alloc : memref<!tpu.dma_semaphore, #tpu.memory_space<semaphore_mem>>
        %dma_start3A = arith.constant 0 : i32
        %dma_start3A_23 = arith.constant 0 : i32
        %dma_start3A_24 = tpu.memref_slice %arg9[%dma_start3A, %dma_start3A_23] : memref<108x128xi32, #tpu.memory_space<vmem>> -> memref<50x128xi32, #tpu.memory_space<vmem>>
        %dma_start3A_25 = arith.constant 0 : i32
        %dma_start3A_26 = arith.constant 0 : i32
        %dma_start3A_27 = tpu.memref_slice %arg5[%arg1, %dma_start3A_25, %dma_start3A_26] : memref<16x50x128xi32, #tpu.memory_space<hbm>> -> memref<1x50x128xi32, #tpu.memory_space<hbm>>
        %dma_start3A_28 = tpu.memref_squeeze %dma_start3A_27 : memref<1x50x128xi32, #tpu.memory_space<hbm>> -> memref<50x128xi32, #tpu.memory_space<hbm>>
        %dma_start3A_29 = arith.constant 0 : i32
        %dma_start3A_30 = arith.constant 0 : i32
        %dma_start3A_31 = tpu.memref_slice %arg9[%dma_start3A_29, %dma_start3A_30] : memref<108x128xi32, #tpu.memory_space<vmem>> -> memref<50x128xi32, #tpu.memory_space<vmem>>
        %dma_start3A_32 = arith.constant 0 : i32
        %dma_start3A_33 = arith.constant 0 : i32
        %dma_start3A_34 = tpu.memref_slice %arg5[%arg1, %dma_start3A_32, %dma_start3A_33] : memref<16x50x128xi32, #tpu.memory_space<hbm>> -> memref<1x50x128xi32, #tpu.memory_space<hbm>>
        %dma_start3A_35 = tpu.memref_squeeze %dma_start3A_34 : memref<1x50x128xi32, #tpu.memory_space<hbm>> -> memref<50x128xi32, #tpu.memory_space<hbm>>
        tpu.enqueue_dma source(%dma_start3A_35 : memref<50x128xi32, #tpu.memory_space<hbm>>) target(%dma_start3A_31 : memref<50x128xi32, #tpu.memory_space<vmem>>) target_semaphore(%run_scoped3A : memref<!tpu.dma_semaphore, #tpu.memory_space<semaphore_mem>>)
        %dma_wait3A = arith.constant 0 : i32
        %dma_wait3A_36 = arith.constant 0 : i32
        %dma_wait3A_37 = tpu.memref_slice %arg9[%dma_wait3A, %dma_wait3A_36] : memref<108x128xi32, #tpu.memory_space<vmem>> -> memref<50x128xi32, #tpu.memory_space<vmem>>
        %dma_wait3A_38 = arith.constant 0 : i32
        %dma_wait3A_39 = arith.constant 0 : i32
        %dma_wait3A_40 = tpu.memref_slice %arg5[%arg1, %dma_wait3A_38, %dma_wait3A_39] : memref<16x50x128xi32, #tpu.memory_space<hbm>> -> memref<1x50x128xi32, #tpu.memory_space<hbm>>
        %dma_wait3A_41 = tpu.memref_squeeze %dma_wait3A_40 : memref<1x50x128xi32, #tpu.memory_space<hbm>> -> memref<50x128xi32, #tpu.memory_space<hbm>>
        %dma_wait3A_42 = arith.constant 0 : i32
        %dma_wait3A_43 = arith.constant 0 : i32
        %dma_wait3A_44 = tpu.memref_slice %arg9[%dma_wait3A_42, %dma_wait3A_43] : memref<108x128xi32, #tpu.memory_space<vmem>> -> memref<50x128xi32, #tpu.memory_space<vmem>>
        %dma_wait3A_45 = arith.constant 0 : i32
        %dma_wait3A_46 = arith.constant 0 : i32
        %dma_wait3A_47 = tpu.memref_slice %arg5[%arg1, %dma_wait3A_45, %dma_wait3A_46] : memref<16x50x128xi32, #tpu.memory_space<hbm>> -> memref<1x50x128xi32, #tpu.memory_space<hbm>>
        %dma_wait3A_48 = tpu.memref_squeeze %dma_wait3A_47 : memref<1x50x128xi32, #tpu.memory_space<hbm>> -> memref<50x128xi32, #tpu.memory_space<hbm>>
        tpu.wait_dma2 semaphore(%run_scoped3A : memref<!tpu.dma_semaphore, #tpu.memory_space<semaphore_mem>>) src(%dma_wait3A_48 : memref<50x128xi32, #tpu.memory_space<hbm>>) dst(%dma_wait3A_44 : memref<50x128xi32, #tpu.memory_space<vmem>>)
        tpu.yield
      }) : () -> ()
      "tpu.region"() ({
        %run_scoped3A = tpu.sem_alloc : memref<!tpu.dma_semaphore, #tpu.memory_space<semaphore_mem>>
        %dma_start3A = arith.constant 0 : i32
        %dma_start3A_23 = arith.constant 0 : i32
        %dma_start3A_24 = tpu.memref_slice %arg10[%dma_start3A, %dma_start3A_23] : memref<108x128xi32, #tpu.memory_space<vmem>> -> memref<50x128xi32, #tpu.memory_space<vmem>>
        %dma_start3A_25 = arith.constant 0 : i32
        %dma_start3A_26 = arith.constant 0 : i32
        %dma_start3A_27 = tpu.memref_slice %arg6[%arg1, %dma_start3A_25, %dma_start3A_26] : memref<16x50x128xi32, #tpu.memory_space<hbm>> -> memref<1x50x128xi32, #tpu.memory_space<hbm>>
        %dma_start3A_28 = tpu.memref_squeeze %dma_start3A_27 : memref<1x50x128xi32, #tpu.memory_space<hbm>> -> memref<50x128xi32, #tpu.memory_space<hbm>>
        %dma_start3A_29 = arith.constant 0 : i32
        %dma_start3A_30 = arith.constant 0 : i32
        %dma_start3A_31 = tpu.memref_slice %arg10[%dma_start3A_29, %dma_start3A_30] : memref<108x128xi32, #tpu.memory_space<vmem>> -> memref<50x128xi32, #tpu.memory_space<vmem>>
        %dma_start3A_32 = arith.constant 0 : i32
        %dma_start3A_33 = arith.constant 0 : i32
        %dma_start3A_34 = tpu.memref_slice %arg6[%arg1, %dma_start3A_32, %dma_start3A_33] : memref<16x50x128xi32, #tpu.memory_space<hbm>> -> memref<1x50x128xi32, #tpu.memory_space<hbm>>
        %dma_start3A_35 = tpu.memref_squeeze %dma_start3A_34 : memref<1x50x128xi32, #tpu.memory_space<hbm>> -> memref<50x128xi32, #tpu.memory_space<hbm>>
        tpu.enqueue_dma source(%dma_start3A_35 : memref<50x128xi32, #tpu.memory_space<hbm>>) target(%dma_start3A_31 : memref<50x128xi32, #tpu.memory_space<vmem>>) target_semaphore(%run_scoped3A : memref<!tpu.dma_semaphore, #tpu.memory_space<semaphore_mem>>)
        %dma_wait3A = arith.constant 0 : i32
        %dma_wait3A_36 = arith.constant 0 : i32
        %dma_wait3A_37 = tpu.memref_slice %arg10[%dma_wait3A, %dma_wait3A_36] : memref<108x128xi32, #tpu.memory_space<vmem>> -> memref<50x128xi32, #tpu.memory_space<vmem>>
        %dma_wait3A_38 = arith.constant 0 : i32
        %dma_wait3A_39 = arith.constant 0 : i32
        %dma_wait3A_40 = tpu.memref_slice %arg6[%arg1, %dma_wait3A_38, %dma_wait3A_39] : memref<16x50x128xi32, #tpu.memory_space<hbm>> -> memref<1x50x128xi32, #tpu.memory_space<hbm>>
        %dma_wait3A_41 = tpu.memref_squeeze %dma_wait3A_40 : memref<1x50x128xi32, #tpu.memory_space<hbm>> -> memref<50x128xi32, #tpu.memory_space<hbm>>
        %dma_wait3A_42 = arith.constant 0 : i32
        %dma_wait3A_43 = arith.constant 0 : i32
        %dma_wait3A_44 = tpu.memref_slice %arg10[%dma_wait3A_42, %dma_wait3A_43] : memref<108x128xi32, #tpu.memory_space<vmem>> -> memref<50x128xi32, #tpu.memory_space<vmem>>
        %dma_wait3A_45 = arith.constant 0 : i32
        %dma_wait3A_46 = arith.constant 0 : i32
        %dma_wait3A_47 = tpu.memref_slice %arg6[%arg1, %dma_wait3A_45, %dma_wait3A_46] : memref<16x50x128xi32, #tpu.memory_space<hbm>> -> memref<1x50x128xi32, #tpu.memory_space<hbm>>
        %dma_wait3A_48 = tpu.memref_squeeze %dma_wait3A_47 : memref<1x50x128xi32, #tpu.memory_space<hbm>> -> memref<50x128xi32, #tpu.memory_space<hbm>>
        tpu.wait_dma2 semaphore(%run_scoped3A : memref<!tpu.dma_semaphore, #tpu.memory_space<semaphore_mem>>) src(%dma_wait3A_48 : memref<50x128xi32, #tpu.memory_space<hbm>>) dst(%dma_wait3A_44 : memref<50x128xi32, #tpu.memory_space<vmem>>)
        tpu.yield
      }) : () -> ()
    } else {
    }
    %barrier3A = arith.constant 0 : index
    tpu.barrier barrier_id(%barrier3A)
    %eq3A_8 = arith.constant 0 : i32
    %eq3A_9 = arith.cmpi eq, %arg0, %eq3A_8 : i32
    %convert_element_type3A_10 = arith.extui %eq3A_9 : i1 to i32
    %cond3A_11 = arith.constant 0 : i32
    %cond3A_12 = arith.cmpi ne, %convert_element_type3A_10, %cond3A_11 : i32
    scf.if %cond3A_12 {
      %scan3A = arith.constant 0 : i32
      %scan3A_23 = arith.constant 108 : i32
      %scan3A_24 = arith.addi %scan3A, %scan3A_23 : i32
      %scan3A_25 = arith.constant 1 : i32
      scf.for %scan3A_27 = %scan3A to %scan3A_24 step %scan3A_25  : i32 {
        %mul3A_28 = arith.constant 1 : i32
        %mul3A_29 = arith.muli %scan3A_27, %mul3A_28 : i32
        %add3A = arith.constant 0 : i32
        %add3A_30 = arith.addi %add3A, %mul3A_29 : i32
        %dma_start3A = arith.constant 0 : i32
        %dma_start3A_31 = tpu.memref_slice %arg9[%add3A_30, %dma_start3A] : memref<108x128xi32, #tpu.memory_space<vmem>> -> memref<1x128xi32, #tpu.memory_space<vmem>>
        %dma_start3A_32 = tpu.memref_squeeze %dma_start3A_31 : memref<1x128xi32, #tpu.memory_space<vmem>> -> memref<128xi32, #tpu.memory_space<vmem>>
        %dma_start3A_33 = arith.constant 0 : i32
        %dma_start3A_34 = arith.constant 0 : i32
        %dma_start3A_35 = tpu.memref_slice %arg2[%dma_start3A_33, %dma_start3A_34] : memref<10240x128xf32, #tpu.memory_space<hbm>> -> memref<10240x128xf32, #tpu.memory_space<hbm>>
        tpu.enqueue_indirect_dma source(%dma_start3A_35 : memref<10240x128xf32, #tpu.memory_space<hbm>>) target(%arg11 : memref<128x128xf32, #tpu.memory_space<vmem>>) offsets(%dma_start3A_32 : memref<128xi32, #tpu.memory_space<vmem>>) semaphore(%arg13 : memref<!tpu.dma_semaphore, #tpu.memory_space<semaphore_mem>>)
        %dma_wait3A = arith.constant 0 : i32
        %dma_wait3A_36 = tpu.memref_slice %arg9[%add3A_30, %dma_wait3A] : memref<108x128xi32, #tpu.memory_space<vmem>> -> memref<1x128xi32, #tpu.memory_space<vmem>>
        %dma_wait3A_37 = tpu.memref_squeeze %dma_wait3A_36 : memref<1x128xi32, #tpu.memory_space<vmem>> -> memref<128xi32, #tpu.memory_space<vmem>>
        %dma_wait3A_38 = arith.constant 0 : i32
        %dma_wait3A_39 = arith.constant 0 : i32
        %dma_wait3A_40 = tpu.memref_slice %arg2[%dma_wait3A_38, %dma_wait3A_39] : memref<10240x128xf32, #tpu.memory_space<hbm>> -> memref<10240x128xf32, #tpu.memory_space<hbm>>
        tpu.wait_indirect_dma semaphore(%arg13 : memref<!tpu.dma_semaphore, #tpu.memory_space<semaphore_mem>>) src(%dma_wait3A_40 : memref<10240x128xf32, #tpu.memory_space<hbm>>) dst(%arg11 : memref<128x128xf32, #tpu.memory_space<vmem>>)
        "tpu.region"() ({
          %run_scoped3A = tpu.sem_alloc : memref<!tpu.dma_semaphore, #tpu.memory_space<semaphore_mem>>
          %dma_start3A_41 = arith.constant 0 : i32
          %dma_start3A_42 = tpu.memref_slice %arg10[%add3A_30, %dma_start3A_41] : memref<108x128xi32, #tpu.memory_space<vmem>> -> memref<1x128xi32, #tpu.memory_space<vmem>>
          %dma_start3A_43 = tpu.memref_squeeze %dma_start3A_42 : memref<1x128xi32, #tpu.memory_space<vmem>> -> memref<128xi32, #tpu.memory_space<vmem>>
          %dma_start3A_44 = arith.constant 0 : i32
          %dma_start3A_45 = arith.constant 0 : i32
          %dma_start3A_46 = tpu.memref_slice %arg12[%dma_start3A_44, %dma_start3A_45] : memref<10240x128xf32, #tpu.memory_space<vmem_shared>> -> memref<10240x128xf32, #tpu.memory_space<vmem_shared>>
          tpu.enqueue_indirect_dma source(%arg11 : memref<128x128xf32, #tpu.memory_space<vmem>>) target(%dma_start3A_46 : memref<10240x128xf32, #tpu.memory_space<vmem_shared>>) offsets(%dma_start3A_43 : memref<128xi32, #tpu.memory_space<vmem>>) semaphore(%run_scoped3A : memref<!tpu.dma_semaphore, #tpu.memory_space<semaphore_mem>>) {add = true}
          %dma_wait3A_47 = arith.constant 0 : i32
          %dma_wait3A_48 = tpu.memref_slice %arg10[%add3A_30, %dma_wait3A_47] : memref<108x128xi32, #tpu.memory_space<vmem>> -> memref<1x128xi32, #tpu.memory_space<vmem>>
          %dma_wait3A_49 = tpu.memref_squeeze %dma_wait3A_48 : memref<1x128xi32, #tpu.memory_space<vmem>> -> memref<128xi32, #tpu.memory_space<vmem>>
          %dma_wait3A_50 = arith.constant 0 : i32
          %dma_wait3A_51 = arith.constant 0 : i32
          %dma_wait3A_52 = tpu.memref_slice %arg12[%dma_wait3A_50, %dma_wait3A_51] : memref<10240x128xf32, #tpu.memory_space<vmem_shared>> -> memref<10240x128xf32, #tpu.memory_space<vmem_shared>>
          tpu.wait_indirect_dma semaphore(%run_scoped3A : memref<!tpu.dma_semaphore, #tpu.memory_space<semaphore_mem>>) src(%arg11 : memref<128x128xf32, #tpu.memory_space<vmem>>) dst(%dma_wait3A_52 : memref<10240x128xf32, #tpu.memory_space<vmem_shared>>)
          tpu.yield
        }) : () -> ()
      }
      %scan3A_26 = arith.constant 108 : i32
    } else {
    }
    %eq3A_13 = arith.constant 1 : i32
    %eq3A_14 = arith.cmpi eq, %arg0, %eq3A_13 : i32
    %convert_element_type3A_15 = arith.extui %eq3A_14 : i1 to i32
    %cond3A_16 = arith.constant 0 : i32
    %cond3A_17 = arith.cmpi ne, %convert_element_type3A_15, %cond3A_16 : i32
    scf.if %cond3A_17 {
      %scan3A = arith.constant 0 : i32
      %scan3A_23 = arith.constant 50 : i32
      %scan3A_24 = arith.addi %scan3A, %scan3A_23 : i32
      %scan3A_25 = arith.constant 1 : i32
      scf.for %scan3A_27 = %scan3A to %scan3A_24 step %scan3A_25  : i32 {
        %mul3A_28 = arith.constant 1 : i32
        %mul3A_29 = arith.muli %scan3A_27, %mul3A_28 : i32
        %add3A = arith.constant 0 : i32
        %add3A_30 = arith.addi %add3A, %mul3A_29 : i32
        %dma_start3A = arith.constant 0 : i32
        %dma_start3A_31 = tpu.memref_slice %arg9[%add3A_30, %dma_start3A] : memref<108x128xi32, #tpu.memory_space<vmem>> -> memref<1x128xi32, #tpu.memory_space<vmem>>
        %dma_start3A_32 = tpu.memref_squeeze %dma_start3A_31 : memref<1x128xi32, #tpu.memory_space<vmem>> -> memref<128xi32, #tpu.memory_space<vmem>>
        %dma_start3A_33 = arith.constant 0 : i32
        %dma_start3A_34 = arith.constant 0 : i32
        %dma_start3A_35 = tpu.memref_slice %arg2[%dma_start3A_33, %dma_start3A_34] : memref<10240x128xf32, #tpu.memory_space<hbm>> -> memref<10240x128xf32, #tpu.memory_space<hbm>>
        tpu.enqueue_indirect_dma source(%dma_start3A_35 : memref<10240x128xf32, #tpu.memory_space<hbm>>) target(%arg11 : memref<128x128xf32, #tpu.memory_space<vmem>>) offsets(%dma_start3A_32 : memref<128xi32, #tpu.memory_space<vmem>>) semaphore(%arg13 : memref<!tpu.dma_semaphore, #tpu.memory_space<semaphore_mem>>)
        %dma_wait3A = arith.constant 0 : i32
        %dma_wait3A_36 = tpu.memref_slice %arg9[%add3A_30, %dma_wait3A] : memref<108x128xi32, #tpu.memory_space<vmem>> -> memref<1x128xi32, #tpu.memory_space<vmem>>
        %dma_wait3A_37 = tpu.memref_squeeze %dma_wait3A_36 : memref<1x128xi32, #tpu.memory_space<vmem>> -> memref<128xi32, #tpu.memory_space<vmem>>
        %dma_wait3A_38 = arith.constant 0 : i32
        %dma_wait3A_39 = arith.constant 0 : i32
        %dma_wait3A_40 = tpu.memref_slice %arg2[%dma_wait3A_38, %dma_wait3A_39] : memref<10240x128xf32, #tpu.memory_space<hbm>> -> memref<10240x128xf32, #tpu.memory_space<hbm>>
        tpu.wait_indirect_dma semaphore(%arg13 : memref<!tpu.dma_semaphore, #tpu.memory_space<semaphore_mem>>) src(%dma_wait3A_40 : memref<10240x128xf32, #tpu.memory_space<hbm>>) dst(%arg11 : memref<128x128xf32, #tpu.memory_space<vmem>>)
        "tpu.region"() ({
          %run_scoped3A = tpu.sem_alloc : memref<!tpu.dma_semaphore, #tpu.memory_space<semaphore_mem>>
          %dma_start3A_41 = arith.constant 0 : i32
          %dma_start3A_42 = tpu.memref_slice %arg10[%add3A_30, %dma_start3A_41] : memref<108x128xi32, #tpu.memory_space<vmem>> -> memref<1x128xi32, #tpu.memory_space<vmem>>
          %dma_start3A_43 = tpu.memref_squeeze %dma_start3A_42 : memref<1x128xi32, #tpu.memory_space<vmem>> -> memref<128xi32, #tpu.memory_space<vmem>>
          %dma_start3A_44 = arith.constant 0 : i32
          %dma_start3A_45 = arith.constant 0 : i32
          %dma_start3A_46 = tpu.memref_slice %arg12[%dma_start3A_44, %dma_start3A_45] : memref<10240x128xf32, #tpu.memory_space<vmem_shared>> -> memref<10240x128xf32, #tpu.memory_space<vmem_shared>>
          tpu.enqueue_indirect_dma source(%arg11 : memref<128x128xf32, #tpu.memory_space<vmem>>) target(%dma_start3A_46 : memref<10240x128xf32, #tpu.memory_space<vmem_shared>>) offsets(%dma_start3A_43 : memref<128xi32, #tpu.memory_space<vmem>>) semaphore(%run_scoped3A : memref<!tpu.dma_semaphore, #tpu.memory_space<semaphore_mem>>) {add = true}
          %dma_wait3A_47 = arith.constant 0 : i32
          %dma_wait3A_48 = tpu.memref_slice %arg10[%add3A_30, %dma_wait3A_47] : memref<108x128xi32, #tpu.memory_space<vmem>> -> memref<1x128xi32, #tpu.memory_space<vmem>>
          %dma_wait3A_49 = tpu.memref_squeeze %dma_wait3A_48 : memref<1x128xi32, #tpu.memory_space<vmem>> -> memref<128xi32, #tpu.memory_space<vmem>>
          %dma_wait3A_50 = arith.constant 0 : i32
          %dma_wait3A_51 = arith.constant 0 : i32
          %dma_wait3A_52 = tpu.memref_slice %arg12[%dma_wait3A_50, %dma_wait3A_51] : memref<10240x128xf32, #tpu.memory_space<vmem_shared>> -> memref<10240x128xf32, #tpu.memory_space<vmem_shared>>
          tpu.wait_indirect_dma semaphore(%run_scoped3A : memref<!tpu.dma_semaphore, #tpu.memory_space<semaphore_mem>>) src(%arg11 : memref<128x128xf32, #tpu.memory_space<vmem>>) dst(%dma_wait3A_52 : memref<10240x128xf32, #tpu.memory_space<vmem_shared>>)
          tpu.yield
        }) : () -> ()
      }
      %scan3A_26 = arith.constant 50 : i32
    } else {
    }
    %barrier3A_18 = arith.constant 0 : index
    tpu.barrier barrier_id(%barrier3A_18)
    %mul3A_19 = arith.constant 640 : i32
    %mul3A_20 = arith.muli %arg1, %mul3A_19 : i32
    %mul3A_21 = arith.constant 640 : i32
    %mul3A_22 = arith.muli %arg1, %mul3A_21 : i32
    "tpu.region"() ({
      %run_scoped3A = tpu.sem_alloc : memref<!tpu.dma_semaphore, #tpu.memory_space<semaphore_mem>>
      %dma_start3A = arith.constant 0 : i32
      %dma_start3A_23 = tpu.memref_slice %arg8[%arg0, %mul3A_22, %dma_start3A] : memref<2x10240x128xf32, #tpu.memory_space<hbm>> -> memref<1x640x128xf32, #tpu.memory_space<hbm>>
      %dma_start3A_24 = tpu.memref_squeeze %dma_start3A_23 : memref<1x640x128xf32, #tpu.memory_space<hbm>> -> memref<640x128xf32, #tpu.memory_space<hbm>>
      %dma_start3A_25 = arith.constant 0 : i32
      %dma_start3A_26 = tpu.memref_slice %arg12[%mul3A_20, %dma_start3A_25] : memref<10240x128xf32, #tpu.memory_space<vmem_shared>> -> memref<640x128xf32, #tpu.memory_space<vmem_shared>>
      tpu.enqueue_dma source(%dma_start3A_26 : memref<640x128xf32, #tpu.memory_space<vmem_shared>>) target(%dma_start3A_24 : memref<640x128xf32, #tpu.memory_space<hbm>>) target_semaphore(%run_scoped3A : memref<!tpu.dma_semaphore, #tpu.memory_space<semaphore_mem>>)
      %dma_wait3A = arith.constant 0 : i32
      %dma_wait3A_27 = tpu.memref_slice %arg8[%arg0, %mul3A_22, %dma_wait3A] : memref<2x10240x128xf32, #tpu.memory_space<hbm>> -> memref<1x640x128xf32, #tpu.memory_space<hbm>>
      %dma_wait3A_28 = tpu.memref_squeeze %dma_wait3A_27 : memref<1x640x128xf32, #tpu.memory_space<hbm>> -> memref<640x128xf32, #tpu.memory_space<hbm>>
      %dma_wait3A_29 = arith.constant 0 : i32
      %dma_wait3A_30 = tpu.memref_slice %arg12[%mul3A_20, %dma_wait3A_29] : memref<10240x128xf32, #tpu.memory_space<vmem_shared>> -> memref<640x128xf32, #tpu.memory_space<vmem_shared>>
      tpu.wait_dma2 semaphore(%run_scoped3A : memref<!tpu.dma_semaphore, #tpu.memory_space<semaphore_mem>>) src(%dma_wait3A_30 : memref<640x128xf32, #tpu.memory_space<vmem_shared>>) dst(%dma_wait3A_28 : memref<640x128xf32, #tpu.memory_space<hbm>>)
      tpu.yield
    }) : () -> ()
    return
  }
}

module attributes {stable_mosaic.version = 14 : i64} {
  func.func @rk(%arg0: i32, %arg1: memref<2x512x8xf32, #tpu.memory_space<vmem>>, %arg2: memref<512x8xf32, #tpu.memory_space<vmem>>) attributes {dimension_semantics = [#tpu.dimension_semantics<arbitrary>], iteration_bounds = array<i64: 20>, scalar_prefetch = 0 : i64, scratch_operands = 0 : i64, tpu.core_type = #tpu.core_type<tc>, window_params = [{transform_indices = @transform_0, window_bounds = array<i64: 2, 512, 8>}, {transform_indices = @transform_1, window_bounds = array<i64: 512, 8>}]} {
    %get3A = arith.constant 0 : index
    %get3A_0 = arith.constant 0 : index
    %get3A_1 = arith.constant 0 : index
    %get3A_2 = vector.load %arg1[%get3A, %get3A_0, %get3A_1] : memref<2x512x8xf32, #tpu.memory_space<vmem>>, vector<1x512x1xf32>
    %get3A_3 = vector.shape_cast %get3A_2 : vector<1x512x1xf32> to vector<512x1xf32>
    %get3A_4 = arith.constant 1 : index
    %get3A_5 = arith.constant 0 : index
    %get3A_6 = arith.constant 0 : index
    %get3A_7 = vector.load %arg1[%get3A_4, %get3A_5, %get3A_6] : memref<2x512x8xf32, #tpu.memory_space<vmem>>, vector<1x512x1xf32>
    %get3A_8 = vector.shape_cast %get3A_7 : vector<1x512x1xf32> to vector<512x1xf32>
    %add3A = arith.addf %get3A_3, %get3A_8 : vector<512x1xf32>
    %max3A = arith.constant 1.000000e+00 : f32
    %max3A_9 = vector.broadcast %max3A : f32 to vector<512x1xf32>
    %max3A_10 = arith.maximumf %add3A, %max3A_9 : vector<512x1xf32>
    %div3A = arith.constant 1.000000e+00 : f32
    %div3A_11 = vector.broadcast %div3A : f32 to vector<512x1xf32>
    %div3A_12 = arith.divf %div3A_11, %max3A_10 : vector<512x1xf32>
    %broadcast_in_dim3A = vector.shape_cast %div3A_12 : vector<512x1xf32> to vector<512x1xf32>
    %broadcast_in_dim3A_13 = vector.broadcast %broadcast_in_dim3A : vector<512x1xf32> to vector<512x8xf32>
    %swap3A = arith.constant 0 : index
    %swap3A_14 = arith.constant 0 : index
    %swap3A_15 = vector.load %arg2[%swap3A, %swap3A_14] : memref<512x8xf32, #tpu.memory_space<vmem>>, vector<512x8xf32>
    tpu.vector_store %arg2[%swap3A, %swap3A_14], %broadcast_in_dim3A_13 {strides = array<i32>} : memref<512x8xf32, #tpu.memory_space<vmem>>, vector<512x8xf32>,
    return
  }
  func.func @transform_0(%arg0: i32) -> (i32, i32, i32) {
    %c0_i32 = arith.constant 0 : i32
    %c0_i32_0 = arith.constant 0 : i32
    %c0_i32_1 = arith.constant 0 : i32
    return %c0_i32, %arg0, %c0_i32_0 : i32, i32, i32
  }
  func.func @transform_1(%arg0: i32) -> (i32, i32) {
    %c0_i32 = arith.constant 0 : i32
    %c0_i32_0 = arith.constant 0 : i32
    return %arg0, %c0_i32 : i32, i32
  }
}

module attributes {stable_mosaic.version = 14 : i64} {
  func.func @zk(%arg0: i32, %arg1: memref<512x128xf32, #tpu.memory_space<vmem>>, %arg2: memref<2x512x128xf32, #tpu.memory_space<vmem>>, %arg3: memref<512x8xf32, #tpu.memory_space<vmem>>, %arg4: memref<128x128xf32, #tpu.memory_space<vmem>>, %arg5: memref<128x128xf32, #tpu.memory_space<vmem>>, %arg6: memref<1x128xf32, #tpu.memory_space<vmem>>, %arg7: memref<512x128xf32, #tpu.memory_space<vmem>>, %arg8: memref<8x128xf32, #tpu.memory_space<vmem>>) attributes {dimension_semantics = [#tpu.dimension_semantics<arbitrary>], iteration_bounds = array<i64: 20>, scalar_prefetch = 0 : i64, scratch_operands = 0 : i64, tpu.core_type = #tpu.core_type<tc>, window_params = [{transform_indices = @transform_0, window_bounds = array<i64: 512, 128>}, {transform_indices = @transform_1, window_bounds = array<i64: 2, 512, 128>}, {transform_indices = @transform_2, window_bounds = array<i64: 512, 8>}, {pipeline_mode = #tpu.pipeline_mode<synchronous>, transform_indices = @transform_3, window_bounds = array<i64: 128, 128>}, {pipeline_mode = #tpu.pipeline_mode<synchronous>, transform_indices = @transform_4, window_bounds = array<i64: 128, 128>}, {pipeline_mode = #tpu.pipeline_mode<synchronous>, transform_indices = @transform_5, window_bounds = array<i64: 1, 128>}, {transform_indices = @transform_6, window_bounds = array<i64: 512, 128>}, {pipeline_mode = #tpu.pipeline_mode<synchronous>, transform_indices = @transform_7, window_bounds = array<i64: 8, 128>}]} {
    %get3A = arith.constant 0 : index
    %get3A_0 = arith.constant 0 : index
    %get3A_1 = vector.load %arg1[%get3A, %get3A_0] : memref<512x128xf32, #tpu.memory_space<vmem>>, vector<512x128xf32>
    %get3A_2 = arith.constant 0 : index
    %get3A_3 = arith.constant 0 : index
    %get3A_4 = arith.constant 0 : index
    %get3A_5 = vector.load %arg2[%get3A_2, %get3A_3, %get3A_4] : memref<2x512x128xf32, #tpu.memory_space<vmem>>, vector<1x512x128xf32>
    %get3A_6 = vector.shape_cast %get3A_5 : vector<1x512x128xf32> to vector<512x128xf32>
    %get3A_7 = arith.constant 1 : index
    %get3A_8 = arith.constant 0 : index
    %get3A_9 = arith.constant 0 : index
    %get3A_10 = vector.load %arg2[%get3A_7, %get3A_8, %get3A_9] : memref<2x512x128xf32, #tpu.memory_space<vmem>>, vector<1x512x128xf32>
    %get3A_11 = vector.shape_cast %get3A_10 : vector<1x512x128xf32> to vector<512x128xf32>
    %add3A = arith.addf %get3A_6, %get3A_11 : vector<512x128xf32>
    %get3A_12 = arith.constant 0 : index
    %get3A_13 = arith.constant 0 : index
    %get3A_14 = vector.load %arg3[%get3A_12, %get3A_13] : memref<512x8xf32, #tpu.memory_space<vmem>>, vector<512x1xf32>
    %mul3A = vector.broadcast %get3A_14 : vector<512x1xf32> to vector<512x128xf32>
    %mul3A_15 = arith.mulf %add3A, %mul3A : vector<512x128xf32>
    %get3A_16 = arith.constant 0 : index
    %get3A_17 = arith.constant 0 : index
    %get3A_18 = vector.load %arg4[%get3A_16, %get3A_17] : memref<128x128xf32, #tpu.memory_space<vmem>>, vector<128x128xf32>
    %dot_general3A = arith.constant dense<0.000000e+00> : vector<512x128xf32>
    %dot_general3A_19 = tpu.matmul %get3A_1, %get3A_18, %dot_general3A {dimension_numbers = #tpu.dot_dimension_numbers<[1], [0], [0], [1], [0, 0, 1, 1], [], []>, transpose_lhs_hint = false} : vector<512x128xf32>, vector<128x128xf32>, vector<512x128xf32> -> vector<512x128xf32>
    %get3A_20 = arith.constant 0 : index
    %get3A_21 = arith.constant 0 : index
    %get3A_22 = vector.load %arg5[%get3A_20, %get3A_21] : memref<128x128xf32, #tpu.memory_space<vmem>>, vector<128x128xf32>
    %dot_general3A_23 = arith.constant dense<0.000000e+00> : vector<512x128xf32>
    %dot_general3A_24 = tpu.matmul %mul3A_15, %get3A_22, %dot_general3A_23 {dimension_numbers = #tpu.dot_dimension_numbers<[1], [0], [0], [1], [0, 0, 1, 1], [], []>, transpose_lhs_hint = false} : vector<512x128xf32>, vector<128x128xf32>, vector<512x128xf32> -> vector<512x128xf32>
    %add3A_25 = arith.addf %dot_general3A_19, %dot_general3A_24 : vector<512x128xf32>
    %get3A_26 = arith.constant 0 : index
    %get3A_27 = arith.constant 0 : index
    %get3A_28 = vector.load %arg6[%get3A_26, %get3A_27] : memref<1x128xf32, #tpu.memory_space<vmem>>, vector<1x128xf32>
    %add3A_29 = vector.broadcast %get3A_28 : vector<1x128xf32> to vector<512x128xf32>
    %add3A_30 = arith.addf %add3A_25, %add3A_29 : vector<512x128xf32>
    %mul3A_31 = arith.constant 512 : i32
    %mul3A_32 = arith.muli %arg0, %mul3A_31 : i32
    %iota3A = tpu.iota {dimensions = array<i32: 0>} : vector<512x128xi32>
    %add3A_33 = vector.broadcast %mul3A_32 : i32 to vector<512x128xi32>
    %add3A_34 = arith.addi %add3A_33, %iota3A : vector<512x128xi32>
    %lt3A = arith.constant 10000 : i32
    %lt3A_35 = vector.broadcast %lt3A : i32 to vector<512x128xi32>
    %lt3A_36 = arith.cmpi slt, %add3A_34, %lt3A_35 : vector<512x128xi32>
    %jit3A = arith.constant 0.000000e+00 : f32
    %broadcast_in_dim3A = vector.broadcast %jit3A : f32 to vector<512x128xf32>
    %select_n3A = arith.select %lt3A_36, %add3A_30, %broadcast_in_dim3A : vector<512x128xi1>, vector<512x128xf32>
    %swap3A = arith.constant 0 : index
    %swap3A_37 = arith.constant 0 : index
    %swap3A_38 = vector.load %arg7[%swap3A, %swap3A_37] : memref<512x128xf32, #tpu.memory_space<vmem>>, vector<512x128xf32>
    tpu.vector_store %arg7[%swap3A, %swap3A_37], %select_n3A {strides = array<i32>} : memref<512x128xf32, #tpu.memory_space<vmem>>, vector<512x128xf32>,
    %eq3A = arith.constant 0 : i32
    %eq3A_39 = arith.cmpi eq, %arg0, %eq3A : i32
    %convert_element_type3A = arith.extui %eq3A_39 : i1 to i32
    %cond3A = arith.constant 0 : i32
    %cond3A_40 = arith.cmpi ne, %convert_element_type3A, %cond3A : i32
    scf.if %cond3A_40 {
      %broadcast_in_dim3A_61 = arith.constant 0.000000e+00 : f32
      %broadcast_in_dim3A_62 = vector.broadcast %broadcast_in_dim3A_61 : f32 to vector<8x128xf32>
      %swap3A_63 = arith.constant 0 : index
      %swap3A_64 = arith.constant 0 : index
      %swap3A_65 = vector.load %arg8[%swap3A_63, %swap3A_64] : memref<8x128xf32, #tpu.memory_space<vmem>>, vector<8x128xf32>
      tpu.vector_store %arg8[%swap3A_63, %swap3A_64], %broadcast_in_dim3A_62 {strides = array<i32>} : memref<8x128xf32, #tpu.memory_space<vmem>>, vector<8x128xf32>,
    } else {
    }
    %get3A_41 = arith.constant 0 : index
    %get3A_42 = arith.constant 0 : index
    %get3A_43 = vector.load %arg8[%get3A_41, %get3A_42] : memref<8x128xf32, #tpu.memory_space<vmem>>, vector<1x128xf32>
    %reduce_sum3A = arith.constant dense<0.000000e+00> : vector<128xf32>
    %reduce_sum3A_44 = vector.multi_reduction <add>, %select_n3A, %reduce_sum3A [0] : vector<512x128xf32> to vector<128xf32>
    %broadcast_in_dim3A_45 = vector.shape_cast %reduce_sum3A_44 : vector<128xf32> to vector<1x128xf32>
    %add3A_46 = arith.addf %get3A_43, %broadcast_in_dim3A_45 : vector<1x128xf32>
    %swap3A_47 = arith.constant 0 : index
    %swap3A_48 = arith.constant 0 : index
    %swap3A_49 = vector.load %arg8[%swap3A_47, %swap3A_48] : memref<8x128xf32, #tpu.memory_space<vmem>>, vector<1x128xf32>
    tpu.vector_store %arg8[%swap3A_47, %swap3A_48], %add3A_46 {strides = array<i32>} : memref<8x128xf32, #tpu.memory_space<vmem>>, vector<1x128xf32>,
    %get3A_50 = arith.constant 1 : index
    %get3A_51 = arith.constant 0 : index
    %get3A_52 = vector.load %arg8[%get3A_50, %get3A_51] : memref<8x128xf32, #tpu.memory_space<vmem>>, vector<1x128xf32>
    %mul3A_53 = arith.mulf %select_n3A, %select_n3A : vector<512x128xf32>
    %reduce_sum3A_54 = arith.constant dense<0.000000e+00> : vector<128xf32>
    %reduce_sum3A_55 = vector.multi_reduction <add>, %mul3A_53, %reduce_sum3A_54 [0] : vector<512x128xf32> to vector<128xf32>
    %broadcast_in_dim3A_56 = vector.shape_cast %reduce_sum3A_55 : vector<128xf32> to vector<1x128xf32>
    %add3A_57 = arith.addf %get3A_52, %broadcast_in_dim3A_56 : vector<1x128xf32>
    %swap3A_58 = arith.constant 1 : index
    %swap3A_59 = arith.constant 0 : index
    %swap3A_60 = vector.load %arg8[%swap3A_58, %swap3A_59] : memref<8x128xf32, #tpu.memory_space<vmem>>, vector<1x128xf32>
    tpu.vector_store %arg8[%swap3A_58, %swap3A_59], %add3A_57 {strides = array<i32>} : memref<8x128xf32, #tpu.memory_space<vmem>>, vector<1x128xf32>,
    return
  }
  func.func @transform_0(%arg0: i32) -> (i32, i32) {
    %c0_i32 = arith.constant 0 : i32
    %c0_i32_0 = arith.constant 0 : i32
    return %arg0, %c0_i32 : i32, i32
  }
  func.func @transform_1(%arg0: i32) -> (i32, i32, i32) {
    %c0_i32 = arith.constant 0 : i32
    %c0_i32_0 = arith.constant 0 : i32
    %c0_i32_1 = arith.constant 0 : i32
    return %c0_i32, %arg0, %c0_i32_0 : i32, i32, i32
  }
  func.func @transform_2(%arg0: i32) -> (i32, i32) {
    %c0_i32 = arith.constant 0 : i32
    %c0_i32_0 = arith.constant 0 : i32
    return %arg0, %c0_i32 : i32, i32
  }
  func.func @transform_3(%arg0: i32) -> (i32, i32) {
    %c0_i32 = arith.constant 0 : i32
    %c0_i32_0 = arith.constant 0 : i32
    %c0_i32_1 = arith.constant 0 : i32
    return %c0_i32, %c0_i32_0 : i32, i32
  }
  func.func @transform_4(%arg0: i32) -> (i32, i32) {
    %c0_i32 = arith.constant 0 : i32
    %c0_i32_0 = arith.constant 0 : i32
    %c0_i32_1 = arith.constant 0 : i32
    return %c0_i32, %c0_i32_0 : i32, i32
  }
  func.func @transform_5(%arg0: i32) -> (i32, i32) {
    %c0_i32 = arith.constant 0 : i32
    %c0_i32_0 = arith.constant 0 : i32
    %c0_i32_1 = arith.constant 0 : i32
    return %c0_i32, %c0_i32_0 : i32, i32
  }
  func.func @transform_6(%arg0: i32) -> (i32, i32) {
    %c0_i32 = arith.constant 0 : i32
    %c0_i32_0 = arith.constant 0 : i32
    return %arg0, %c0_i32 : i32, i32
  }
  func.func @transform_7(%arg0: i32) -> (i32, i32) {
    %c0_i32 = arith.constant 0 : i32
    %c0_i32_0 = arith.constant 0 : i32
    %c0_i32_1 = arith.constant 0 : i32
    return %c0_i32, %c0_i32_0 : i32, i32
  }
}

module attributes {stable_mosaic.version = 14 : i64} {
  func.func @nk(%arg0: i32, %arg1: memref<512x128xf32, #tpu.memory_space<vmem>>, %arg2: memref<8x128xf32, #tpu.memory_space<vmem>>, %arg3: memref<1x128xf32, #tpu.memory_space<vmem>>, %arg4: memref<1x128xf32, #tpu.memory_space<vmem>>, %arg5: memref<512x128xf32, #tpu.memory_space<vmem>>) attributes {dimension_semantics = [#tpu.dimension_semantics<arbitrary>], iteration_bounds = array<i64: 20>, scalar_prefetch = 0 : i64, scratch_operands = 0 : i64, tpu.core_type = #tpu.core_type<tc>, window_params = [{transform_indices = @transform_0, window_bounds = array<i64: 512, 128>}, {pipeline_mode = #tpu.pipeline_mode<synchronous>, transform_indices = @transform_1, window_bounds = array<i64: 8, 128>}, {pipeline_mode = #tpu.pipeline_mode<synchronous>, transform_indices = @transform_2, window_bounds = array<i64: 1, 128>}, {pipeline_mode = #tpu.pipeline_mode<synchronous>, transform_indices = @transform_3, window_bounds = array<i64: 1, 128>}, {transform_indices = @transform_4, window_bounds = array<i64: 512, 128>}]} {
    %get3A = arith.constant 0 : index
    %get3A_0 = arith.constant 0 : index
    %get3A_1 = vector.load %arg2[%get3A, %get3A_0] : memref<8x128xf32, #tpu.memory_space<vmem>>, vector<1x128xf32>
    %mul3A = arith.constant 9.99999974E-5 : f32
    %mul3A_2 = vector.broadcast %mul3A : f32 to vector<1x128xf32>
    %mul3A_3 = arith.mulf %get3A_1, %mul3A_2 : vector<1x128xf32>
    %get3A_4 = arith.constant 1 : index
    %get3A_5 = arith.constant 0 : index
    %get3A_6 = vector.load %arg2[%get3A_4, %get3A_5] : memref<8x128xf32, #tpu.memory_space<vmem>>, vector<1x128xf32>
    %mul3A_7 = arith.constant 9.99999974E-5 : f32
    %mul3A_8 = vector.broadcast %mul3A_7 : f32 to vector<1x128xf32>
    %mul3A_9 = arith.mulf %get3A_6, %mul3A_8 : vector<1x128xf32>
    %mul3A_10 = arith.mulf %mul3A_3, %mul3A_3 : vector<1x128xf32>
    %sub3A = arith.subf %mul3A_9, %mul3A_10 : vector<1x128xf32>
    %add3A = arith.constant 9.99999974E-6 : f32
    %add3A_11 = vector.broadcast %add3A : f32 to vector<1x128xf32>
    %add3A_12 = arith.addf %sub3A, %add3A_11 : vector<1x128xf32>
    %rsqrt3A = math.rsqrt %add3A_12 : vector<1x128xf32>
    %get3A_13 = arith.constant 0 : index
    %get3A_14 = arith.constant 0 : index
    %get3A_15 = vector.load %arg1[%get3A_13, %get3A_14] : memref<512x128xf32, #tpu.memory_space<vmem>>, vector<512x128xf32>
    %sub3A_16 = vector.broadcast %mul3A_3 : vector<1x128xf32> to vector<512x128xf32>
    %sub3A_17 = arith.subf %get3A_15, %sub3A_16 : vector<512x128xf32>
    %mul3A_18 = vector.broadcast %rsqrt3A : vector<1x128xf32> to vector<512x128xf32>
    %mul3A_19 = arith.mulf %sub3A_17, %mul3A_18 : vector<512x128xf32>
    %get3A_20 = arith.constant 0 : index
    %get3A_21 = arith.constant 0 : index
    %get3A_22 = vector.load %arg3[%get3A_20, %get3A_21] : memref<1x128xf32, #tpu.memory_space<vmem>>, vector<1x128xf32>
    %mul3A_23 = vector.broadcast %get3A_22 : vector<1x128xf32> to vector<512x128xf32>
    %mul3A_24 = arith.mulf %mul3A_19, %mul3A_23 : vector<512x128xf32>
    %get3A_25 = arith.constant 0 : index
    %get3A_26 = arith.constant 0 : index
    %get3A_27 = vector.load %arg4[%get3A_25, %get3A_26] : memref<1x128xf32, #tpu.memory_space<vmem>>, vector<1x128xf32>
    %add3A_28 = vector.broadcast %get3A_27 : vector<1x128xf32> to vector<512x128xf32>
    %add3A_29 = arith.addf %mul3A_24, %add3A_28 : vector<512x128xf32>
    %max3A = arith.constant 0.000000e+00 : f32
    %max3A_30 = vector.broadcast %max3A : f32 to vector<512x128xf32>
    %max3A_31 = arith.maximumf %add3A_29, %max3A_30 : vector<512x128xf32>
    %mul3A_32 = arith.constant 512 : i32
    %mul3A_33 = arith.muli %arg0, %mul3A_32 : i32
    %iota3A = tpu.iota {dimensions = array<i32: 0>} : vector<512x128xi32>
    %add3A_34 = vector.broadcast %mul3A_33 : i32 to vector<512x128xi32>
    %add3A_35 = arith.addi %add3A_34, %iota3A : vector<512x128xi32>
    %lt3A = arith.constant 10000 : i32
    %lt3A_36 = vector.broadcast %lt3A : i32 to vector<512x128xi32>
    %lt3A_37 = arith.cmpi slt, %add3A_35, %lt3A_36 : vector<512x128xi32>
    %jit3A = arith.constant 0.000000e+00 : f32
    %broadcast_in_dim3A = vector.broadcast %jit3A : f32 to vector<512x128xf32>
    %select_n3A = arith.select %lt3A_37, %max3A_31, %broadcast_in_dim3A : vector<512x128xi1>, vector<512x128xf32>
    %swap3A = arith.constant 0 : index
    %swap3A_38 = arith.constant 0 : index
    %swap3A_39 = vector.load %arg5[%swap3A, %swap3A_38] : memref<512x128xf32, #tpu.memory_space<vmem>>, vector<512x128xf32>
    tpu.vector_store %arg5[%swap3A, %swap3A_38], %select_n3A {strides = array<i32>} : memref<512x128xf32, #tpu.memory_space<vmem>>, vector<512x128xf32>,
    return
  }
  func.func @transform_0(%arg0: i32) -> (i32, i32) {
    %c0_i32 = arith.constant 0 : i32
    %c0_i32_0 = arith.constant 0 : i32
    return %arg0, %c0_i32 : i32, i32
  }
  func.func @transform_1(%arg0: i32) -> (i32, i32) {
    %c0_i32 = arith.constant 0 : i32
    %c0_i32_0 = arith.constant 0 : i32
    %c0_i32_1 = arith.constant 0 : i32
    return %c0_i32, %c0_i32_0 : i32, i32
  }
  func.func @transform_2(%arg0: i32) -> (i32, i32) {
    %c0_i32 = arith.constant 0 : i32
    %c0_i32_0 = arith.constant 0 : i32
    %c0_i32_1 = arith.constant 0 : i32
    return %c0_i32, %c0_i32_0 : i32, i32
  }
  func.func @transform_3(%arg0: i32) -> (i32, i32) {
    %c0_i32 = arith.constant 0 : i32
    %c0_i32_0 = arith.constant 0 : i32
    %c0_i32_1 = arith.constant 0 : i32
    return %c0_i32, %c0_i32_0 : i32, i32
  }
  func.func @transform_4(%arg0: i32) -> (i32, i32) {
    %c0_i32 = arith.constant 0 : i32
    %c0_i32_0 = arith.constant 0 : i32
    return %arg0, %c0_i32 : i32, i32
  }
}

module attributes {stable_mosaic.version = 14 : i64} {
  func.func @fk(%arg0: i32, %arg1: memref<512x128xf32, #tpu.memory_space<vmem>>, %arg2: memref<2x512x128xf32, #tpu.memory_space<vmem>>, %arg3: memref<512x8xf32, #tpu.memory_space<vmem>>, %arg4: memref<128x128xf32, #tpu.memory_space<vmem>>, %arg5: memref<128x128xf32, #tpu.memory_space<vmem>>, %arg6: memref<1x128xf32, #tpu.memory_space<vmem>>, %arg7: memref<128x128xf32, #tpu.memory_space<vmem>>, %arg8: memref<1x128xf32, #tpu.memory_space<vmem>>, %arg9: memref<128x128xf32, #tpu.memory_space<vmem>>, %arg10: memref<1x128xf32, #tpu.memory_space<vmem>>, %arg11: memref<128x128xf32, #tpu.memory_space<vmem>>, %arg12: memref<1x128xf32, #tpu.memory_space<vmem>>, %arg13: memref<512x128xf32, #tpu.memory_space<vmem>>) attributes {dimension_semantics = [#tpu.dimension_semantics<arbitrary>], iteration_bounds = array<i64: 20>, scalar_prefetch = 0 : i64, scratch_operands = 0 : i64, tpu.core_type = #tpu.core_type<tc>, window_params = [{transform_indices = @transform_0, window_bounds = array<i64: 512, 128>}, {transform_indices = @transform_1, window_bounds = array<i64: 2, 512, 128>}, {transform_indices = @transform_2, window_bounds = array<i64: 512, 8>}, {pipeline_mode = #tpu.pipeline_mode<synchronous>, transform_indices = @transform_3, window_bounds = array<i64: 128, 128>}, {pipeline_mode = #tpu.pipeline_mode<synchronous>, transform_indices = @transform_4, window_bounds = array<i64: 128, 128>}, {pipeline_mode = #tpu.pipeline_mode<synchronous>, transform_indices = @transform_5, window_bounds = array<i64: 1, 128>}, {pipeline_mode = #tpu.pipeline_mode<synchronous>, transform_indices = @transform_6, window_bounds = array<i64: 128, 128>}, {pipeline_mode = #tpu.pipeline_mode<synchronous>, transform_indices = @transform_7, window_bounds = array<i64: 1, 128>}, {pipeline_mode = #tpu.pipeline_mode<synchronous>, transform_indices = @transform_8, window_bounds = array<i64: 128, 128>}, {pipeline_mode = #tpu.pipeline_mode<synchronous>, transform_indices = @transform_9, window_bounds = array<i64: 1, 128>}, {pipeline_mode = #tpu.pipeline_mode<synchronous>, transform_indices = @transform_10, window_bounds = array<i64: 128, 128>}, {pipeline_mode = #tpu.pipeline_mode<synchronous>, transform_indices = @transform_11, window_bounds = array<i64: 1, 128>}, {transform_indices = @transform_12, window_bounds = array<i64: 512, 128>}]} {
    %get3A = arith.constant 0 : index
    %get3A_0 = arith.constant 0 : index
    %get3A_1 = vector.load %arg1[%get3A, %get3A_0] : memref<512x128xf32, #tpu.memory_space<vmem>>, vector<512x128xf32>
    %get3A_2 = arith.constant 0 : index
    %get3A_3 = arith.constant 0 : index
    %get3A_4 = arith.constant 0 : index
    %get3A_5 = vector.load %arg2[%get3A_2, %get3A_3, %get3A_4] : memref<2x512x128xf32, #tpu.memory_space<vmem>>, vector<1x512x128xf32>
    %get3A_6 = vector.shape_cast %get3A_5 : vector<1x512x128xf32> to vector<512x128xf32>
    %get3A_7 = arith.constant 1 : index
    %get3A_8 = arith.constant 0 : index
    %get3A_9 = arith.constant 0 : index
    %get3A_10 = vector.load %arg2[%get3A_7, %get3A_8, %get3A_9] : memref<2x512x128xf32, #tpu.memory_space<vmem>>, vector<1x512x128xf32>
    %get3A_11 = vector.shape_cast %get3A_10 : vector<1x512x128xf32> to vector<512x128xf32>
    %add3A = arith.addf %get3A_6, %get3A_11 : vector<512x128xf32>
    %get3A_12 = arith.constant 0 : index
    %get3A_13 = arith.constant 0 : index
    %get3A_14 = vector.load %arg3[%get3A_12, %get3A_13] : memref<512x8xf32, #tpu.memory_space<vmem>>, vector<512x1xf32>
    %mul3A = vector.broadcast %get3A_14 : vector<512x1xf32> to vector<512x128xf32>
    %mul3A_15 = arith.mulf %add3A, %mul3A : vector<512x128xf32>
    %get3A_16 = arith.constant 0 : index
    %get3A_17 = arith.constant 0 : index
    %get3A_18 = vector.load %arg4[%get3A_16, %get3A_17] : memref<128x128xf32, #tpu.memory_space<vmem>>, vector<128x128xf32>
    %dot_general3A = arith.constant dense<0.000000e+00> : vector<512x128xf32>
    %dot_general3A_19 = tpu.matmul %get3A_1, %get3A_18, %dot_general3A {dimension_numbers = #tpu.dot_dimension_numbers<[1], [0], [0], [1], [0, 0, 1, 1], [], []>, transpose_lhs_hint = false} : vector<512x128xf32>, vector<128x128xf32>, vector<512x128xf32> -> vector<512x128xf32>
    %get3A_20 = arith.constant 0 : index
    %get3A_21 = arith.constant 0 : index
    %get3A_22 = vector.load %arg5[%get3A_20, %get3A_21] : memref<128x128xf32, #tpu.memory_space<vmem>>, vector<128x128xf32>
    %dot_general3A_23 = arith.constant dense<0.000000e+00> : vector<512x128xf32>
    %dot_general3A_24 = tpu.matmul %mul3A_15, %get3A_22, %dot_general3A_23 {dimension_numbers = #tpu.dot_dimension_numbers<[1], [0], [0], [1], [0, 0, 1, 1], [], []>, transpose_lhs_hint = false} : vector<512x128xf32>, vector<128x128xf32>, vector<512x128xf32> -> vector<512x128xf32>
    %add3A_25 = arith.addf %dot_general3A_19, %dot_general3A_24 : vector<512x128xf32>
    %get3A_26 = arith.constant 0 : index
    %get3A_27 = arith.constant 0 : index
    %get3A_28 = vector.load %arg6[%get3A_26, %get3A_27] : memref<1x128xf32, #tpu.memory_space<vmem>>, vector<1x128xf32>
    %add3A_29 = vector.broadcast %get3A_28 : vector<1x128xf32> to vector<512x128xf32>
    %add3A_30 = arith.addf %add3A_25, %add3A_29 : vector<512x128xf32>
    %get3A_31 = arith.constant 0 : index
    %get3A_32 = arith.constant 0 : index
    %get3A_33 = vector.load %arg7[%get3A_31, %get3A_32] : memref<128x128xf32, #tpu.memory_space<vmem>>, vector<128x128xf32>
    %dot_general3A_34 = arith.constant dense<0.000000e+00> : vector<512x128xf32>
    %dot_general3A_35 = tpu.matmul %add3A_30, %get3A_33, %dot_general3A_34 {dimension_numbers = #tpu.dot_dimension_numbers<[1], [0], [0], [1], [0, 0, 1, 1], [], []>, transpose_lhs_hint = false} : vector<512x128xf32>, vector<128x128xf32>, vector<512x128xf32> -> vector<512x128xf32>
    %get3A_36 = arith.constant 0 : index
    %get3A_37 = arith.constant 0 : index
    %get3A_38 = vector.load %arg8[%get3A_36, %get3A_37] : memref<1x128xf32, #tpu.memory_space<vmem>>, vector<1x128xf32>
    %add3A_39 = vector.broadcast %get3A_38 : vector<1x128xf32> to vector<512x128xf32>
    %add3A_40 = arith.addf %dot_general3A_35, %add3A_39 : vector<512x128xf32>
    %max3A = arith.constant 0.000000e+00 : f32
    %max3A_41 = vector.broadcast %max3A : f32 to vector<512x128xf32>
    %max3A_42 = arith.maximumf %add3A_40, %max3A_41 : vector<512x128xf32>
    %get3A_43 = arith.constant 0 : index
    %get3A_44 = arith.constant 0 : index
    %get3A_45 = vector.load %arg9[%get3A_43, %get3A_44] : memref<128x128xf32, #tpu.memory_space<vmem>>, vector<128x128xf32>
    %dot_general3A_46 = arith.constant dense<0.000000e+00> : vector<512x128xf32>
    %dot_general3A_47 = tpu.matmul %max3A_42, %get3A_45, %dot_general3A_46 {dimension_numbers = #tpu.dot_dimension_numbers<[1], [0], [0], [1], [0, 0, 1, 1], [], []>, transpose_lhs_hint = false} : vector<512x128xf32>, vector<128x128xf32>, vector<512x128xf32> -> vector<512x128xf32>
    %get3A_48 = arith.constant 0 : index
    %get3A_49 = arith.constant 0 : index
    %get3A_50 = vector.load %arg10[%get3A_48, %get3A_49] : memref<1x128xf32, #tpu.memory_space<vmem>>, vector<1x128xf32>
    %add3A_51 = vector.broadcast %get3A_50 : vector<1x128xf32> to vector<512x128xf32>
    %add3A_52 = arith.addf %dot_general3A_47, %add3A_51 : vector<512x128xf32>
    %max3A_53 = arith.constant 0.000000e+00 : f32
    %max3A_54 = vector.broadcast %max3A_53 : f32 to vector<512x128xf32>
    %max3A_55 = arith.maximumf %add3A_52, %max3A_54 : vector<512x128xf32>
    %get3A_56 = arith.constant 0 : index
    %get3A_57 = arith.constant 0 : index
    %get3A_58 = vector.load %arg11[%get3A_56, %get3A_57] : memref<128x128xf32, #tpu.memory_space<vmem>>, vector<128x128xf32>
    %dot_general3A_59 = arith.constant dense<0.000000e+00> : vector<512x128xf32>
    %dot_general3A_60 = tpu.matmul %max3A_55, %get3A_58, %dot_general3A_59 {dimension_numbers = #tpu.dot_dimension_numbers<[1], [0], [0], [1], [0, 0, 1, 1], [], []>, transpose_lhs_hint = false} : vector<512x128xf32>, vector<128x128xf32>, vector<512x128xf32> -> vector<512x128xf32>
    %get3A_61 = arith.constant 0 : index
    %get3A_62 = arith.constant 0 : index
    %get3A_63 = vector.load %arg12[%get3A_61, %get3A_62] : memref<1x128xf32, #tpu.memory_space<vmem>>, vector<1x128xf32>
    %add3A_64 = vector.broadcast %get3A_63 : vector<1x128xf32> to vector<512x128xf32>
    %add3A_65 = arith.addf %dot_general3A_60, %add3A_64 : vector<512x128xf32>
    %swap3A = arith.constant 0 : index
    %swap3A_66 = arith.constant 0 : index
    %swap3A_67 = vector.load %arg13[%swap3A, %swap3A_66] : memref<512x128xf32, #tpu.memory_space<vmem>>, vector<512x128xf32>
    tpu.vector_store %arg13[%swap3A, %swap3A_66], %add3A_65 {strides = array<i32>} : memref<512x128xf32, #tpu.memory_space<vmem>>, vector<512x128xf32>,
    return
  }
  func.func @transform_0(%arg0: i32) -> (i32, i32) {
    %c0_i32 = arith.constant 0 : i32
    %c0_i32_0 = arith.constant 0 : i32
    return %arg0, %c0_i32 : i32, i32
  }
  func.func @transform_1(%arg0: i32) -> (i32, i32, i32) {
    %c0_i32 = arith.constant 0 : i32
    %c0_i32_0 = arith.constant 0 : i32
    %c0_i32_1 = arith.constant 0 : i32
    return %c0_i32, %arg0, %c0_i32_0 : i32, i32, i32
  }
  func.func @transform_2(%arg0: i32) -> (i32, i32) {
    %c0_i32 = arith.constant 0 : i32
    %c0_i32_0 = arith.constant 0 : i32
    return %arg0, %c0_i32 : i32, i32
  }
  func.func @transform_3(%arg0: i32) -> (i32, i32) {
    %c0_i32 = arith.constant 0 : i32
    %c0_i32_0 = arith.constant 0 : i32
    %c0_i32_1 = arith.constant 0 : i32
    return %c0_i32, %c0_i32_0 : i32, i32
  }
  func.func @transform_4(%arg0: i32) -> (i32, i32) {
    %c0_i32 = arith.constant 0 : i32
    %c0_i32_0 = arith.constant 0 : i32
    %c0_i32_1 = arith.constant 0 : i32
    return %c0_i32, %c0_i32_0 : i32, i32
  }
  func.func @transform_5(%arg0: i32) -> (i32, i32) {
    %c0_i32 = arith.constant 0 : i32
    %c0_i32_0 = arith.constant 0 : i32
    %c0_i32_1 = arith.constant 0 : i32
    return %c0_i32, %c0_i32_0 : i32, i32
  }
  func.func @transform_6(%arg0: i32) -> (i32, i32) {
    %c0_i32 = arith.constant 0 : i32
    %c0_i32_0 = arith.constant 0 : i32
    %c0_i32_1 = arith.constant 0 : i32
    return %c0_i32, %c0_i32_0 : i32, i32
  }
  func.func @transform_7(%arg0: i32) -> (i32, i32) {
    %c0_i32 = arith.constant 0 : i32
    %c0_i32_0 = arith.constant 0 : i32
    %c0_i32_1 = arith.constant 0 : i32
    return %c0_i32, %c0_i32_0 : i32, i32
  }
  func.func @transform_8(%arg0: i32) -> (i32, i32) {
    %c0_i32 = arith.constant 0 : i32
    %c0_i32_0 = arith.constant 0 : i32
    %c0_i32_1 = arith.constant 0 : i32
    return %c0_i32, %c0_i32_0 : i32, i32
  }
  func.func @transform_9(%arg0: i32) -> (i32, i32) {
    %c0_i32 = arith.constant 0 : i32
    %c0_i32_0 = arith.constant 0 : i32
    %c0_i32_1 = arith.constant 0 : i32
    return %c0_i32, %c0_i32_0 : i32, i32
  }
  func.func @transform_10(%arg0: i32) -> (i32, i32) {
    %c0_i32 = arith.constant 0 : i32
    %c0_i32_0 = arith.constant 0 : i32
    %c0_i32_1 = arith.constant 0 : i32
    return %c0_i32, %c0_i32_0 : i32, i32
  }
  func.func @transform_11(%arg0: i32) -> (i32, i32) {
    %c0_i32 = arith.constant 0 : i32
    %c0_i32_0 = arith.constant 0 : i32
    %c0_i32_1 = arith.constant 0 : i32
    return %c0_i32, %c0_i32_0 : i32, i32
  }
  func.func @transform_12(%arg0: i32) -> (i32, i32) {
    %c0_i32 = arith.constant 0 : i32
    %c0_i32_0 = arith.constant 0 : i32
    return %arg0, %c0_i32 : i32, i32
  }
}

</mosaic_0001>

<sc_bundles>
// kernel: kernel.12.cloned.1.call-start
scs
__scs_entry_jumppad:
0x0: {  	(pc) =	sbr.rel $0x88, $3  }
0x1: {  	(tag) =	ssettag $0x0;
	lr =	simm.s32 $0x1  }
0x2: {  	[smem:$0x3F8E] =	sst lr;
	_ =	strace $0xD0000000  }
0x3: {  	_ = 	snop  }
0x4: {  	_ = 	snop  }
0x5: {  	_ = 	snop  }
0x6: {  	_ = 	snop  }
0x7: {  	_ = 	snop  }
__scs_overlays_trampoline_lowered:
0x8: {  	[smem:$0x3F9D] =	sst s0  }
0x9: {  	[smem:$0x3F9E] =	sst s1  }
0xa: {  	[smem:$0x3F9F] =	sst s2  }
0xb: {  	[smem:$0x3FA0] =	sst s3  }
0xc: {  	[smem:$0x3FA1] =	sst s4  }
0xd: {  	[smem:$0x3FA2] =	sst s5  }
0xe: {  	[smem:$0x3FA3] =	sst s6  }
0xf: {  	[smem:$0x3FA4] =	sst s7  }
0x10: {  	[smem:$0x3FA5] =	sst s8  }
0x11: {  	[smem:$0x3FA6] =	sst s9;
	s0 =	simm.s32 @!p0 $0x0  }
0x12: {  	s1 =	sld [smem:$0x3F8C];
	s0 =	simm.s32 @p0 $0x1  }
0x13: {  	[smem:$0x3FA7] =	sst s0;
	s0 =	simm.s32 @!p1 $0x0  }
0x14: {  	s2 =	sld [smem:$0x3F8B];
	s0 =	simm.s32 @p1 $0x1  }
0x15: {  	[smem:$0x3FA8] =	sst s0;
	s0 =	simm.s32 @!p2 $0x0  }
0x16: {  	s3 =	sld [smem:$0x3FDB];
	s0 =	simm.s32 @p2 $0x1  }
0x17: {  	s4 =	simm.s32 $0x1BF5;
	[smem:$0x3FAA] =	sst s0  }
0x18: {  	s0 =	sld [smem:$0x3F8D];
	_ =	swait.ge [sflag:s4], $0x0  }
0x19: {  	s7 =	sld [smem:$0x3F8E]  }
0x1a: {  	s8 =	sadd.s32 $0xFFFFE003, lr  }
0x1b: {  	s9 =	sadd.s32 $0xFFFFFEF7, lr;
	s5 =	simm.s32 $0xFFFFFFFF;
	p2 =	slt.u32 s8, $0xFFFFF086  }
0x1c: {  	p1 =	slt.u32 s9, $0xF7A;
	s5 =	simm.s32 @!p2 $0x0  }
0x1d: {  	s5 =	simm.s32 @p1 $0x1;
	p0 =	seq.s32 s7, s2  }
0x1e: {  	s7 =	smul.u32 @!p0 $0xF7A, s2;
	p2 =	seq.s32 @!p0 s5, $0x0  }
0x1f: {  	s9 =	smul.u32 $0xF7A, s1;
	s8 =	simm.s32 @!p0 $0x1BF5;
	p2 =	por !p2, p0  }
0x20: {  	[sflag:s8] =	ssyncset.s32 @!p0 $0xFFFFF086;
	s6 =	sadd.s32 @!p0 s3, s7;
	s7 =	simm.s32 @!p0 $0x108  }
0x21: {  	s3 =	sadd.s32 s3, s9;
	s6 =	sadd.s32 @!p0 $0x88, s6;
	s7 =	simm.s32 @p2 $0x1082  }
0x22: {  	[simem:s7], [sflag:s8] =	dma.local @!p0 [hbm:s6], $0xF7A  }
0x23: {  	s9 =	sor.u32 $0xD0000000, s2;
	s6 =	simm.s32 $0x108;
	_ =	swait.ge @!p0 [sflag:s8], $0x0  }
0x24: {  	s3 =	sadd.s32 $0x88, s3;
	s6 =	simm.s32 @!p1 $0x1082;
	[sflag:s4] =	ssyncset.s32 $0xFFFFF086  }
0x25: {  	[simem:s6], [sflag:s4] =	dma.local [hbm:s3], $0xF7A  }
0x26: {  	[smem:$0x3F8E] =	sst s1;
	(tag) =	ssettag s2;
	_ =	strace s9  }
0x27: {  	s1 =	sld [smem:$0x3F9E]  }
0x28: {  	s2 =	sld [smem:$0x3F9F]  }
0x29: {  	s4 =	sld [smem:$0x3FA1]  }
0x2a: {  	p0 =	seq.s32 s5, $0x0;
	s5 =	sld [smem:$0x3FA2]  }
0x2b: {  	s6 =	sld [smem:$0x3FA3]  }
0x2c: {  	s7 =	sld [smem:$0x3FA4]  }
0x2d: {  	s3 =	simm.s32 $0x108;
	s8 =	sld [smem:$0x3FA5]  }
0x2e: {  	s3 =	simm.s32 @!p0 $0x1082;
	s9 =	sld [smem:$0x3FA6]  }
0x2f: {  	lr =	sadd.s32 s0, s3;
	s0 =	sld [smem:$0x3F9D]  }
0x30: {  	s3 =	sld [smem:$0x3FA0]  }
0x31: {  	[smem:$0x3FA9] =	sst s10  }
0x32: {  	s10 =	sld [smem:$0x3FA7];
	_ =	sdelay $0x3  }
0x33: {  	p0 =	seq.s32 s10, $0x1;
	s10 =	sld [smem:$0x3FA9];
	_ =	sdelay $0x3  }
0x34: {  	[smem:$0x3FA9] =	sst s10  }
0x35: {  	s10 =	sld [smem:$0x3FA8];
	_ =	sdelay $0x3  }
0x36: {  	p1 =	seq.s32 s10, $0x1;
	s10 =	sld [smem:$0x3FA9];
	_ =	sdelay $0x3  }
0x37: {  	[smem:$0x3FA9] =	sst s10  }
0x38: {  	s10 =	sld [smem:$0x3FAA]  }
0x39: {  	_ = 	snop;
	(pc) =	sbr.ind lr, $3  }
0x3a: {  	_ = 	snop  }
0x3b: {  	_ = 	snop  }
0x3c: {  	p2 =	seq.s32 s10, $0x1;
	s10 =	sld [smem:$0x3FA9]  }
0x3d: {  	_ =	shalt  }
0x3e: {  	_ =	shalt  }
0x3f: {  	_ =	shalt  }
0x40: {  	_ =	shalt  }
0x41: {  	_ =	shalt  }
0x42: {  	_ =	shalt  }
0x43: {  	_ =	shalt  }
0x44: {  	_ =	shalt  }
0x45: {  	_ =	shalt  }
0x46: {  	_ =	shalt  }
0x47: {  	_ =	shalt  }
0x48: {  	_ =	shalt  }
0x49: {  	_ =	shalt  }
0x4a: {  	_ =	shalt  }
0x4b: {  	_ =	shalt  }
0x4c: {  	_ =	shalt  }
0x4d: {  	_ =	shalt  }
0x4e: {  	_ =	shalt  }
0x4f: {  	_ =	shalt  }
0x50: {  	_ =	shalt  }
0x51: {  	_ =	shalt  }
0x52: {  	_ =	shalt  }
0x53: {  	_ =	shalt  }
0x54: {  	_ =	shalt  }
0x55: {  	_ =	shalt  }
0x56: {  	_ =	shalt  }
0x57: {  	_ =	shalt  }
0x58: {  	_ =	shalt  }
0x59: {  	_ =	shalt  }
0x5a: {  	_ =	shalt  }
0x5b: {  	_ =	shalt  }
0x5c: {  	_ =	shalt  }
0x5d: {  	_ =	shalt  }
0x5e: {  	_ =	shalt  }
0x5f: {  	_ =	shalt  }
0x60: {  	_ =	shalt  }
0x61: {  	_ =	shalt  }
0x62: {  	_ =	shalt  }
0x63: {  	_ =	shalt  }
0x64: {  	_ =	shalt  }
0x65: {  	_ =	shalt  }
0x66: {  	_ =	shalt  }
0x67: {  	_ =	shalt  }
0x68: {  	_ =	shalt  }
0x69: {  	_ =	shalt  }
0x6a: {  	_ =	shalt  }
0x6b: {  	_ =	shalt  }
0x6c: {  	_ =	shalt  }
0x6d: {  	_ =	shalt  }
0x6e: {  	_ =	shalt  }
0x6f: {  	_ =	shalt  }
0x70: {  	_ =	shalt  }
0x71: {  	_ =	shalt  }
0x72: {  	_ =	shalt  }
0x73: {  	_ =	shalt  }
0x74: {  	_ =	shalt  }
0x75: {  	_ =	shalt  }
0x76: {  	_ =	shalt  }
0x77: {  	_ =	shalt  }
0x78: {  	_ =	shalt  }
0x79: {  	_ =	shalt  }
0x7a: {  	_ =	shalt  }
0x7b: {  	_ =	shalt  }
0x7c: {  	_ =	shalt  }
0x7d: {  	_ =	shalt  }
0x7e: {  	_ =	shalt  }
0x7f: {  	_ =	shalt  }
0x80: {  	_ =	shalt  }
0x81: {  	_ =	shalt  }
0x82: {  	_ =	shalt  }
0x83: {  	_ =	shalt  }
0x84: {  	_ =	shalt  }
0x85: {  	_ =	shalt  }
0x86: {  	_ =	shalt  }
0x87: {  	_ =	shalt  }
.Lfunc_end0:
.L_simem_size_0:
called_computation_lowered:
.L_overlay_start_0:
0x88: {  	s2 =	sld [smem:$0x3FD9]  }
0x89: {  	s3 =	sld [smem:$0x3FFE];
	_ =	sdelay $0x1  }
0x8a: {  	s1 =	srdreg.scid  }
0x8b: {  	s0 =	sand.u32 $0x1, s1  }
0x8c: {  	s16 =	sshll.u32 s0, $0xA;
	s2 =	sadd.s32 s3, s2  }
0x8d: {  	s2 =	sadd.s32 s2, s16  }
0x8e: {  	[smem:$0x3FB5] =	sst s2  }
0x8f: {  	_ = 	snop  }
0x90: {  	(tm) =	ssettm $0x1  }
0x91: {  	s17 =	sld [smem:$0x3FFB];
	_ =	sdelay $0x3  }
0x92: {  	_ =	strace s17  }
0x93: {  	s2 =	sld [smem:$0x3FFC];
	_ =	sdelay $0x3  }
0x94: {  	_ =	strace s2  }
0x95: {  	s2 =	sld [smem:$0x3FFD];
	_ =	sdelay $0x3  }
0x96: {  	_ =	strace s2  }
0x97: {  	_ =	strace $0x8FFFFFFF  }
0x98: {  	s18 =	sld [smem:$0x3FDB];
	_ =	sdelay $0x1  }
0x99: {  	s19 =	simm.s32 $_scs_section_size  }
0x9a: {  	s4 =	simm.s32 $_size__tile_overlayer_lowered;
	s5 =	simm.s32 $_tile_overlayer_lowered  }
0x9b: {  	s22 =	simm.s32 $0x1BFF;
	s21 =	sshll.u32 s5, $0x1;
	s2 =	sadd.s32 s19, s18  }
0x9c: {  	s6 =	simm.s32 $0x0;
	s20 =	sshll.u32 s4, $0x1;
	s4 =	sadd.s32 s21, s2  }
0x9d: {  	[timem:s6], [sflag:s22] =	dma.local [hbm:s4], s20  }
0x9e: {  	_ =	swait.ge [sflag:s22], s20  }
0x9f: {  	s3 =	ssub.s32 $0x0, s20;
	[sflag:s22] =	ssyncset.done $0x0  }
0xa0: {  	[sflag:s22] =	ssyncadd.s32 s3;
	_ =	sdelay $0x1  }
0xa1: {  	s23 =	simm.s32 $0x1B8B  }
0xa2: {  	_ =	swait.ge [sflag:s23], $0x1  }
0xa3: {  	[sflag:s23] =	ssyncset.done $0x0  }
0xa4: {  	s25 =	simm.s32 $0x1B8E;
	s24 =	sld [smem:$0x3FFE];
	[sflag:s23] =	ssyncadd.s32 $0xFFFFFFFF  }
0xa5: {  	s26 =	simm.s32 $execute0_lowered;
	[smem:$0x3FD2] =	sst s25  }
0xa6: {  	s4 =	sshll.u32 s26, $0x1;
	_ =	strace $0x80000046;
	[dreg:$0x1] =	wrdreg $0xFFFFFFFF  }
0xa7: {  	s28 =	simm.s32 $_size_execute0_lowered;
	s2 =	sadd.s32 s2, s4;
	[dreg:$0x0] =	wrdreg $0x0  }
0xa8: {  	s4 =	sshll.u32 s28, $0x1;
	[dreg:$0x2] =	wrdreg s2  }
0xa9: {  	[dreg:$0x3] =	wrdreg s4  }
0xaa: {  	[dreg:$0x4] =	wrdreg $0xC0  }
0xab: {  	_ =	task [dreg:s6], $0x5FFFF  }
0xac: {  	[dreg:$0x1] =	wrdreg $0xFFFFFFFF  }
0xad: {  	[dreg:$0x0] =	wrdreg $0x60  }
0xae: {  	[dreg:$0x2] =	wrdreg s24  }
0xaf: {  	[dreg:$0x3] =	wrdreg $0x68000  }
0xb0: {  	[dreg:$0x4] =	wrdreg $0x9  }
0xb1: {  	_ =	task.clear_ibuf [dreg:s6], $0x5FFFF;
	_ =	strace $0x90000046  }
0xb2: {  	s29 =	simm.s32 $0x9;
	_ =	strace $0x80000048  }
0xb3: {  	_ =	swait.ge [sflag:s29], $0x1  }
0xb4: {  	[sflag:s29] =	ssyncadd.s32 $0xFFFFFFFF  }
0xb5: {  	_ =	strace $0x90000048  }
0xb6: {  	_ =	sfence  }
0xb7: {  	s30 =	sld [smem:$0x0];
	_ =	sdelay $0x2  }
0xb8: {  	s31 =	sshll.u32 s1, $0xD;
	s1 =	sshrl.u32 s1, $0x2  }
0xb9: {  	s3 =	sand.u32 $0x4000, s31;
	s1 =	sadd.s32 s1, s30  }
0xba: {  	s0 =	sor.u32 s3, s0;
	s1 =	sshll.u32 s1, $0x11  }
0xbb: {  	s0 =	sor.u32 s1, s0  }
0xbc: {  	s0 =	sadd.s32 $0x8F2B, s0  }
0xbd: {  	[sflag:s0] =	ssyncadd.remote.s32 $0x1  }
0xbe: {  	_ =	sfence.sel $0xFFFF  }
0xbf: {  	[dreg:$0x0] =	wrdreg $0xFFFFFFFF;
	(pc) =	sbr.abs _section_cstart, $3  }
0xc0: {  	[dreg:$0x1] =	wrdreg $0xFFFFFFFF  }
0xc1: {  	_ =	task.clear_ibuf [dreg:s6], $0x2FFFF;
	_ =	strace $0x9FFFFFFF  }
0xc2: {  	(tm) =	ssettm $0x7FFFFFFF  }
0xc3: {  	_ =	shalt  }
tec
execute0_lowered:
.L_overlay_start_1:
0x0: {  	(tag) =	ssettag $0x1  }
0x1: {  	s7 =	rddreg [dreg:$0x0]  }
0x2: {  	s0 =	srdreg.scid;
	s2 =	rddreg [dreg:$0x1]  }
0x3: {  	s3 =	simm.s32 $0x0;
	s12 =	simm.s32 $0x2800;
	s6 =	sand.u32 $0x1, s0  }
0x4: {  	s13 =	simm.s32 $0x80;
	s0 =	stileid.u32;
	s5 =	smul.u32 $0x140000, s6  }
0x5: {  	s14 =	simm.s32 $0x0;
	[smem:$0x7FF] =	sst s3;
	s8 =	smul.u32 $0x14000, s0  }
0x6: {  	s1 =	sshll.u32 s6, $0x4;
	s10 =	smul.u32 $0x50000, s0;
	s6 =	ssub.s32 $0x2, s6  }
0x7: {  	s31 =	sshll.u32 s0, $0x6;
	s1 =	sor.u32 s0, s1;
	s30 =	sshrl.u32 s6, $0x1  }
0x8: {  	s4 =	smul.u32 $0x500, s1;
	s1 =	rddreg [dreg:$0x2];
	_ =	strace $0x80000047  }
0x9: {  	s8 =	sadd.s32 s8, s5;
	s5 =	sadd.s32 $0x10200, s7;
	s10 =	sshrl.u32 s10, $0x2  }
0xa: {  	s11 =	ssub.s32 s6, s30;
	s6 =	sor.u32 $0x1C01, s31;
	s8 =	sshrl.u32 s8, $0x3  }
0xb: {  	s10 =	sadd.s32 s10, s2;
	s9 =	sadd.s32 s4, s7;
	s4 =	sadd.s32 $0xDA00, s7  }
0xc: {  	s8 =	sadd.s32 s8, s7;
	s10 =	sshrl.u32 s10, $0x3;
	s7 =	sadd.s32 $0x3A00, s9  }
0xd: {  	s8 =	sadd.s32 $0x10A00, s8;
	s9 =	smax.u32 s11, $0x1;
	s11 =	simm.s32 $0x1  }
.LBB2_1:
0xe: {  	[spmem:s10], [sflag:s6] =	dma.local [hbm:s4], $0x2800  }
0xf: {  	_ =	swait.ge [sflag:s11], $0x2800  }
0x10: {  	[sflag:s11] =	ssyncset.done $0x0  }
0x11: {  	[sflag:s11] =	ssyncadd.s32 $0xFFFFD800  }
0x12: {  	[tilespmem:s3], [sflag:$0x1] =	stream.linear.gather [hbm4b:s7+s3], $0x2780, $0x38;
	[tilespmem:$0x1A800] =	vst v63  }
0x13: {  	_ =	swait.ge [sflag:s11], $0x2780  }
0x14: {  	[sflag:s11] =	ssyncset.done $0x0  }
0x15: {  	[sflag:s11] =	ssyncadd.s32 $0xFFFFD880  }
0x16: {  	[tilespmem:s12], [sflag:$0x1] =	stream.linear.gather [hbm4b:s5+s3], $0x4000, $0x38;
	[tilespmem:$0x1A800] =	vst v63  }
0x17: {  	_ =	swait.ge [sflag:s11], $0x4000  }
0x18: {  	[sflag:s11] =	ssyncset.done $0x0  }
0x19: {  	[sflag:s11] =	ssyncadd.s32 $0xFFFFC000  }
0x1a: {  	s15 =	simm.s32 $0x0;
	[bflag:$0x0] =	sbarrier.arrive $0xFFFF  }
0x1b: {  	[spmem:s2] =	stream.indirect.scatter.add.f32 [tilespmem:s12], [sflag:$0x1], $0x80, s15, s13, $0xb8;
	[tilespmem:$0x1A800] =	vst v63  }
0x1c: {  	_ =	swait.ge [sflag:s11], $0x4000  }
0x1d: {  	s15 =	simm.s32 $0x200;
	[sflag:s11] =	ssyncset.done $0x0  }
.LBB2_2:
0x1e: {  	s16 =	sshra.s32 s15, $0x2;
	[sflag:s11] =	ssyncadd.s32 $0xFFFFC000;
	p0 =	sne.s32 s15, $0x9C00  }
0x1f: {  	[spmem:s2] =	stream.indirect.scatter.add.f32 [tilespmem:s12], [sflag:$0x1], $0x80, s16, s13, $0xb8;
	[tilespmem:$0x1A800] =	vst v63  }
.Ltmp0:
0x20: {  	_ = 	snop;
	(pc) =	sbr.rel @p0 .LBB2_2-.Ltmp0, $4  }
0x21: {  	_ = 	snop  }
0x22: {  	s15 =	sadd.s32 $0x200, s15  }
0x23: {  	_ =	swait.ge [sflag:s11], $0x4000  }
0x24: {  	[sflag:s11] =	ssyncset.done $0x0  }
0x25: {  	s14 =	sadd.s32 $0x1, s14  }
0x26: {  	[sflag:s11] =	ssyncadd.s32 $0xFFFFC000;
	p0 =	sne.s32 s14, s9  }
.Ltmp1:
0x27: {  	[bflag:$0x0] =	sbarrier.arrive $0xFFFF;
	(pc) =	sbr.rel @p0 .LBB2_1-.Ltmp1, $4  }
0x28: {  	[hbm:s8], [sflag:s6] =	dma.local [spmem:s10], $0x2800  }
0x29: {  	_ =	swait.ge [sflag:s11], $0x2800  }
0x2a: {  	[sflag:s11] =	ssyncset.done $0x0  }
0x2b: {  	[sflag:s11] =	ssyncadd.s32 $0xFFFFD800  }
0x2c: {  	_ =	sfence.sel $0x180000  }
0x2d: {  	[bflag:$0x0] =	sbarrier.arrive $0xFFFF  }
0x2e: {  	p0 =	sne.s32 s0, $0x0;
	_ =	strace $0x90000047  }
0x2f: {  	s0 =	sadd.s32 @!p0 $0x100000, s1;
	[bflag:$0x2] =	sbarrier.arrive $0xFFFF  }
0x30: {  	[sflag:s0] =	ssyncadd.tile.s32 @!p0 $0x1;
	_ =	shalt  }
.Lfunc_end2:
_tile_overlayer_lowered:
.L_overlay_start_2:
0x31: {  	(tag) =	ssettag $0x2  }
0x32: {  	s0 =	rddreg [dreg:$0x0];
	s2 =	stileid.u32  }
0x33: {  	s1 =	rddreg [dreg:$0x1];
	p0 =	sne.s32 s2, $0x0  }
0x34: {  	s3 =	rddreg [dreg:$0x2];
	[bflag:$0x3] =	sbarrier.arrive $0xFFFF;
	s2 =	simm.s32 @!p0 $0x1C01  }
0x35: {  	[timem:s3], [sflag:s2] =	dma.local @!p0 [hbm:s0], s1  }
0x36: {  	s0 =	simm.s32 @!p0 $0x1  }
0x37: {  	_ =	swait.ge @!p0 [sflag:s0], s1  }
0x38: {  	s1 =	ssub.s32 @!p0 $0x0, s1;
	[sflag:s0] =	ssyncset.done @!p0 $0x0  }
0x39: {  	[sflag:s0] =	ssyncadd.s32 @!p0 s1  }
0x3a: {  	[bflag:$0x3] =	sbarrier.arrive $0xFFFF  }
0x3b: {  	_ =	shalt  }

// kernel: kernel.15.cloned.1.call-start
scs
__scs_entry_jumppad:
0x0: {  	(pc) =	sbr.rel $0x88, $3  }
0x1: {  	(tag) =	ssettag $0x0;
	lr =	simm.s32 $0x1  }
0x2: {  	[smem:$0x3F8E] =	sst lr;
	_ =	strace $0xD0000000  }
0x3: {  	_ = 	snop  }
0x4: {  	_ = 	snop  }
0x5: {  	_ = 	snop  }
0x6: {  	_ = 	snop  }
0x7: {  	_ = 	snop  }
__scs_overlays_trampoline_lowered:
0x8: {  	[smem:$0x3F9D] =	sst s0  }
0x9: {  	[smem:$0x3F9E] =	sst s1  }
0xa: {  	[smem:$0x3F9F] =	sst s2  }
0xb: {  	[smem:$0x3FA0] =	sst s3  }
0xc: {  	[smem:$0x3FA1] =	sst s4  }
0xd: {  	[smem:$0x3FA2] =	sst s5  }
0xe: {  	[smem:$0x3FA3] =	sst s6  }
0xf: {  	[smem:$0x3FA4] =	sst s7  }
0x10: {  	[smem:$0x3FA5] =	sst s8  }
0x11: {  	[smem:$0x3FA6] =	sst s9;
	s0 =	simm.s32 @!p0 $0x0  }
0x12: {  	s1 =	sld [smem:$0x3F8C];
	s0 =	simm.s32 @p0 $0x1  }
0x13: {  	[smem:$0x3FA7] =	sst s0;
	s0 =	simm.s32 @!p1 $0x0  }
0x14: {  	s2 =	sld [smem:$0x3F8B];
	s0 =	simm.s32 @p1 $0x1  }
0x15: {  	[smem:$0x3FA8] =	sst s0;
	s0 =	simm.s32 @!p2 $0x0  }
0x16: {  	s3 =	sld [smem:$0x3FDB];
	s0 =	simm.s32 @p2 $0x1  }
0x17: {  	s4 =	simm.s32 $0x1BF5;
	[smem:$0x3FAA] =	sst s0  }
0x18: {  	s0 =	sld [smem:$0x3F8D];
	_ =	swait.ge [sflag:s4], $0x0  }
0x19: {  	s7 =	sld [smem:$0x3F8E]  }
0x1a: {  	s8 =	sadd.s32 $0xFFFFE003, lr  }
0x1b: {  	s9 =	sadd.s32 $0xFFFFFEF7, lr;
	s5 =	simm.s32 $0xFFFFFFFF;
	p2 =	slt.u32 s8, $0xFFFFF086  }
0x1c: {  	p1 =	slt.u32 s9, $0xF7A;
	s5 =	simm.s32 @!p2 $0x0  }
0x1d: {  	s5 =	simm.s32 @p1 $0x1;
	p0 =	seq.s32 s7, s2  }
0x1e: {  	s7 =	smul.u32 @!p0 $0xF7A, s2;
	p2 =	seq.s32 @!p0 s5, $0x0  }
0x1f: {  	s9 =	smul.u32 $0xF7A, s1;
	s8 =	simm.s32 @!p0 $0x1BF5;
	p2 =	por !p2, p0  }
0x20: {  	[sflag:s8] =	ssyncset.s32 @!p0 $0xFFFFF086;
	s6 =	sadd.s32 @!p0 s3, s7;
	s7 =	simm.s32 @!p0 $0x108  }
0x21: {  	s3 =	sadd.s32 s3, s9;
	s6 =	sadd.s32 @!p0 $0x88, s6;
	s7 =	simm.s32 @p2 $0x1082  }
0x22: {  	[simem:s7], [sflag:s8] =	dma.local @!p0 [hbm:s6], $0xF7A  }
0x23: {  	s9 =	sor.u32 $0xD0000000, s2;
	s6 =	simm.s32 $0x108;
	_ =	swait.ge @!p0 [sflag:s8], $0x0  }
0x24: {  	s3 =	sadd.s32 $0x88, s3;
	s6 =	simm.s32 @!p1 $0x1082;
	[sflag:s4] =	ssyncset.s32 $0xFFFFF086  }
0x25: {  	[simem:s6], [sflag:s4] =	dma.local [hbm:s3], $0xF7A  }
0x26: {  	[smem:$0x3F8E] =	sst s1;
	(tag) =	ssettag s2;
	_ =	strace s9  }
0x27: {  	s1 =	sld [smem:$0x3F9E]  }
0x28: {  	s2 =	sld [smem:$0x3F9F]  }
0x29: {  	s4 =	sld [smem:$0x3FA1]  }
0x2a: {  	p0 =	seq.s32 s5, $0x0;
	s5 =	sld [smem:$0x3FA2]  }
0x2b: {  	s6 =	sld [smem:$0x3FA3]  }
0x2c: {  	s7 =	sld [smem:$0x3FA4]  }
0x2d: {  	s3 =	simm.s32 $0x108;
	s8 =	sld [smem:$0x3FA5]  }
0x2e: {  	s3 =	simm.s32 @!p0 $0x1082;
	s9 =	sld [smem:$0x3FA6]  }
0x2f: {  	lr =	sadd.s32 s0, s3;
	s0 =	sld [smem:$0x3F9D]  }
0x30: {  	s3 =	sld [smem:$0x3FA0]  }
0x31: {  	[smem:$0x3FA9] =	sst s10  }
0x32: {  	s10 =	sld [smem:$0x3FA7];
	_ =	sdelay $0x3  }
0x33: {  	p0 =	seq.s32 s10, $0x1;
	s10 =	sld [smem:$0x3FA9];
	_ =	sdelay $0x3  }
0x34: {  	[smem:$0x3FA9] =	sst s10  }
0x35: {  	s10 =	sld [smem:$0x3FA8];
	_ =	sdelay $0x3  }
0x36: {  	p1 =	seq.s32 s10, $0x1;
	s10 =	sld [smem:$0x3FA9];
	_ =	sdelay $0x3  }
0x37: {  	[smem:$0x3FA9] =	sst s10  }
0x38: {  	s10 =	sld [smem:$0x3FAA]  }
0x39: {  	_ = 	snop;
	(pc) =	sbr.ind lr, $3  }
0x3a: {  	_ = 	snop  }
0x3b: {  	_ = 	snop  }
0x3c: {  	p2 =	seq.s32 s10, $0x1;
	s10 =	sld [smem:$0x3FA9]  }
0x3d: {  	_ =	shalt  }
0x3e: {  	_ =	shalt  }
0x3f: {  	_ =	shalt  }
0x40: {  	_ =	shalt  }
0x41: {  	_ =	shalt  }
0x42: {  	_ =	shalt  }
0x43: {  	_ =	shalt  }
0x44: {  	_ =	shalt  }
0x45: {  	_ =	shalt  }
0x46: {  	_ =	shalt  }
0x47: {  	_ =	shalt  }
0x48: {  	_ =	shalt  }
0x49: {  	_ =	shalt  }
0x4a: {  	_ =	shalt  }
0x4b: {  	_ =	shalt  }
0x4c: {  	_ =	shalt  }
0x4d: {  	_ =	shalt  }
0x4e: {  	_ =	shalt  }
0x4f: {  	_ =	shalt  }
0x50: {  	_ =	shalt  }
0x51: {  	_ =	shalt  }
0x52: {  	_ =	shalt  }
0x53: {  	_ =	shalt  }
0x54: {  	_ =	shalt  }
0x55: {  	_ =	shalt  }
0x56: {  	_ =	shalt  }
0x57: {  	_ =	shalt  }
0x58: {  	_ =	shalt  }
0x59: {  	_ =	shalt  }
0x5a: {  	_ =	shalt  }
0x5b: {  	_ =	shalt  }
0x5c: {  	_ =	shalt  }
0x5d: {  	_ =	shalt  }
0x5e: {  	_ =	shalt  }
0x5f: {  	_ =	shalt  }
0x60: {  	_ =	shalt  }
0x61: {  	_ =	shalt  }
0x62: {  	_ =	shalt  }
0x63: {  	_ =	shalt  }
0x64: {  	_ =	shalt  }
0x65: {  	_ =	shalt  }
0x66: {  	_ =	shalt  }
0x67: {  	_ =	shalt  }
0x68: {  	_ =	shalt  }
0x69: {  	_ =	shalt  }
0x6a: {  	_ =	shalt  }
0x6b: {  	_ =	shalt  }
0x6c: {  	_ =	shalt  }
0x6d: {  	_ =	shalt  }
0x6e: {  	_ =	shalt  }
0x6f: {  	_ =	shalt  }
0x70: {  	_ =	shalt  }
0x71: {  	_ =	shalt  }
0x72: {  	_ =	shalt  }
0x73: {  	_ =	shalt  }
0x74: {  	_ =	shalt  }
0x75: {  	_ =	shalt  }
0x76: {  	_ =	shalt  }
0x77: {  	_ =	shalt  }
0x78: {  	_ =	shalt  }
0x79: {  	_ =	shalt  }
0x7a: {  	_ =	shalt  }
0x7b: {  	_ =	shalt  }
0x7c: {  	_ =	shalt  }
0x7d: {  	_ =	shalt  }
0x7e: {  	_ =	shalt  }
0x7f: {  	_ =	shalt  }
0x80: {  	_ =	shalt  }
0x81: {  	_ =	shalt  }
0x82: {  	_ =	shalt  }
0x83: {  	_ =	shalt  }
0x84: {  	_ =	shalt  }
0x85: {  	_ =	shalt  }
0x86: {  	_ =	shalt  }
0x87: {  	_ =	shalt  }
.Lfunc_end0:
.L_simem_size_0:
called_computation.1_lowered:
.L_overlay_start_0:
0x88: {  	s2 =	sld [smem:$0x3FD9]  }
0x89: {  	s3 =	sld [smem:$0x3FFE];
	_ =	sdelay $0x1  }
0x8a: {  	s1 =	srdreg.scid  }
0x8b: {  	s0 =	sand.u32 $0x1, s1  }
0x8c: {  	s17 =	sshll.u32 s0, $0xA;
	s2 =	sadd.s32 s3, s2  }
0x8d: {  	s2 =	sadd.s32 s2, s17  }
0x8e: {  	[smem:$0x3FB5] =	sst s2  }
0x8f: {  	_ = 	snop  }
0x90: {  	(tm) =	ssettm $0x1  }
0x91: {  	s18 =	sld [smem:$0x3FFB];
	_ =	sdelay $0x3  }
0x92: {  	_ =	strace s18  }
0x93: {  	s2 =	sld [smem:$0x3FFC];
	_ =	sdelay $0x3  }
0x94: {  	_ =	strace s2  }
0x95: {  	s2 =	sld [smem:$0x3FFD];
	_ =	sdelay $0x3  }
0x96: {  	_ =	strace s2  }
0x97: {  	_ =	strace $0x8FFFFFFF  }
0x98: {  	s19 =	sld [smem:$0x3FDB];
	_ =	sdelay $0x1  }
0x99: {  	s20 =	simm.s32 $_scs_section_size  }
0x9a: {  	s4 =	simm.s32 $_size__tile_overlayer_lowered;
	s5 =	simm.s32 $_tile_overlayer_lowered  }
0x9b: {  	s6 =	simm.s32 $0x1BFF;
	s21 =	sshll.u32 s5, $0x1;
	s3 =	sadd.s32 s20, s19  }
0x9c: {  	s22 =	simm.s32 $0x0;
	s4 =	sshll.u32 s4, $0x1;
	s5 =	sadd.s32 s21, s3  }
0x9d: {  	[timem:s22], [sflag:s6] =	dma.local [hbm:s5], s4  }
0x9e: {  	_ =	swait.ge [sflag:s6], s4  }
0x9f: {  	s4 =	ssub.s32 $0x0, s4;
	[sflag:s6] =	ssyncset.done $0x0  }
0xa0: {  	[sflag:s6] =	ssyncadd.s32 s4;
	_ =	sdelay $0x1  }
0xa1: {  	s23 =	simm.s32 $0x1B8B  }
0xa2: {  	_ =	swait.ge [sflag:s23], $0x1  }
0xa3: {  	[sflag:s23] =	ssyncset.done $0x0  }
0xa4: {  	[sflag:s23] =	ssyncadd.s32 $0xFFFFFFFF  }
0xa5: {  	s4 =	sld [smem:$0x0]  }
0xa6: {  	s5 =	sand.u32 $0xFFFFFFFE, s1  }
0xa7: {  	p0 =	sne.s32 s1, s5  }
0xa8: {  	s5 =	sshll.u32 @p0 s5, $0xE  }
0xa9: {  	s5 =	sadd.s32 @p0 $0x11B8D, s5;
	s6 =	sshll.u32 @p0 s4, $0x11  }
0xaa: {  	s5 =	sor.u32 @p0 s6, s5  }
0xab: {  	[sflag:s5] =	ssyncadd.remote.s32 @p0 $0x1;
	_ =	sdelay $0x1  }
0xac: {  	s5 =	simm.s32 @p0 $0x1B8D  }
0xad: {  	_ =	swait.eq @p0 [sflag:s5], $0x1  }
0xae: {  	[sflag:s5] =	ssyncadd.s32 @p0 $0xFFFFFFFF  }
0xaf: {  	s6 =	sshll.u32 @!p0 s1, $0xE  }
0xb0: {  	s6 =	sor.u32 @!p0 $0x4000, s6;
	s5 =	simm.s32 @!p0 $0x1B8D  }
0xb1: {  	s4 =	sshll.u32 @!p0 s4, $0x11;
	s6 =	sadd.s32 @!p0 $0x11B8D, s6;
	_ =	swait.eq @!p0 [sflag:s5], $0x1  }
0xb2: {  	s4 =	sor.u32 @!p0 s4, s6;
	[sflag:s5] =	ssyncadd.s32 @!p0 $0xFFFFFFFF  }
0xb3: {  	s25 =	simm.s32 $0x1B8E;
	s24 =	sld [smem:$0x3FFE];
	[sflag:s4] =	ssyncadd.remote.s32 @!p0 $0x1  }
0xb4: {  	s26 =	simm.s32 $execute0_lowered;
	[smem:$0x3FD2] =	sst s25  }
0xb5: {  	s5 =	sshll.u32 s26, $0x1;
	_ =	strace $0x80000049;
	[dreg:$0x1] =	wrdreg $0xFFFFFFFF  }
0xb6: {  	s28 =	simm.s32 $_size_execute0_lowered;
	s3 =	sadd.s32 s3, s5;
	[dreg:$0x0] =	wrdreg $0x0  }
0xb7: {  	s5 =	sshll.u32 s28, $0x1;
	[dreg:$0x2] =	wrdreg s3  }
0xb8: {  	[dreg:$0x3] =	wrdreg s5  }
0xb9: {  	[dreg:$0x4] =	wrdreg $0xC0  }
0xba: {  	_ =	task [dreg:s22], $0x5FFFF  }
0xbb: {  	[dreg:$0x1] =	wrdreg $0xFFFFFFFF  }
0xbc: {  	[dreg:$0x0] =	wrdreg $0x60  }
0xbd: {  	[dreg:$0x2] =	wrdreg s24  }
0xbe: {  	[dreg:$0x3] =	wrdreg $0xB0000  }
0xbf: {  	[dreg:$0x4] =	wrdreg $0xA  }
0xc0: {  	_ =	task.clear_ibuf [dreg:s22], $0x5FFFF;
	_ =	strace $0x90000049  }
0xc1: {  	s29 =	simm.s32 $0xA;
	_ =	strace $0x8000004B  }
0xc2: {  	_ =	swait.ge [sflag:s29], $0x1  }
0xc3: {  	[sflag:s29] =	ssyncadd.s32 $0xFFFFFFFF  }
0xc4: {  	_ =	strace $0x9000004B  }
0xc5: {  	_ =	sfence  }
0xc6: {  	s30 =	sld [smem:$0x0];
	_ =	sdelay $0x2  }
0xc7: {  	s31 =	sshll.u32 s1, $0xD;
	s1 =	sshrl.u32 s1, $0x2  }
0xc8: {  	s4 =	sand.u32 $0x4000, s31;
	s1 =	sadd.s32 s1, s30  }
0xc9: {  	s0 =	sor.u32 s4, s0;
	s1 =	sshll.u32 s1, $0x11  }
0xca: {  	s0 =	sor.u32 s1, s0  }
0xcb: {  	s0 =	sadd.s32 $0x8F2B, s0  }
0xcc: {  	[sflag:s0] =	ssyncadd.remote.s32 $0x1  }
0xcd: {  	_ =	sfence.sel $0xFFFF  }
0xce: {  	[dreg:$0x0] =	wrdreg $0xFFFFFFFF;
	(pc) =	sbr.abs _section_cstart, $3  }
0xcf: {  	[dreg:$0x1] =	wrdreg $0xFFFFFFFF  }
0xd0: {  	_ =	task.clear_ibuf [dreg:s22], $0x2FFFF;
	_ =	strace $0x9FFFFFFF  }
0xd1: {  	(tm) =	ssettm $0x7FFFFFFF  }
tec
execute0_lowered:
.L_overlay_start_1:
0x0: {  	(tag) =	ssettag $0x1  }
0x1: {  	s6 =	rddreg [dreg:$0x0]  }
0x2: {  	s0 =	stileid.u32;
	s1 =	srdreg.scid  }
0x3: {  	s2 =	rddreg [dreg:$0x1];
	s3 =	simm.s32 $0x0;
	s5 =	smul.u32 $0x700, s0  }
0x4: {  	s16 =	simm.s32 $0x80;
	s17 =	simm.s32 $0x7000;
	s7 =	smul.u32 $0x380, s0  }
0x5: {  	s13 =	sand.u32 $0x1, s1;
	s1 =	rddreg [dreg:$0x2];
	s9 =	smul.u32 $0x14000, s0  }
0x6: {  	s18 =	simm.s32 $0x1;
	[smem:$0x7FF] =	sst s3;
	s28 =	smul.u32 $0x50000, s0  }
0x7: {  	s4 =	sadd.s32 $0x75A00, s6;
	s31 =	sshll.u32 s0, $0x6;
	s8 =	smul.u32 $0x140000, s13  }
0x8: {  	_ =	strace $0x8000004A;
	s26 =	ssub.s32 $0x2, s13;
	p0 =	sne.s32 s13, $0x0  }
0x9: {  	s10 =	sadd.s32 s5, s6;
	s11 =	sadd.s32 s7, s6;
	s5 =	sadd.s32 $0xDA00, s6  }
0xa: {  	s29 =	sshrl.u32 s26, $0x1;
	s30 =	sshrl.u32 s28, $0x2;
	s24 =	sadd.s32 s9, s8  }
.Ltmp0:
0xb: {  	s14 =	ssub.s32 s26, s29;
	s15 =	sadd.s32 s30, s2;
	(pc) =	sbr.rel .LBB2_1-.Ltmp0, $4  }
0xc: {  	s7 =	sadd.s32 $0x60A00, s11;
	s8 =	sadd.s32 $0x64200, s11;
	s9 =	sadd.s32 $0x67A00, s10  }
0xd: {  	s10 =	sadd.s32 $0x6EA00, s10;
	s25 =	sshrl.u32 s24, $0x3;
	s13 =	sshrl.u32 s15, $0x3  }
0xe: {  	s15 =	simm.s32 $0x3800;
	s12 =	sadd.s32 s25, s6;
	s6 =	sor.u32 $0x1C02, s31  }
0xf: {  	s11 =	sadd.s32 $0x9DA00, s12;
	s12 =	smax.u32 s14, $0x1;
	s14 =	simm.s32 $0x2  }
.LBB2_7:
0x10: {  	s19 =	sshra.s32 s19, $0x2;
	[sflag:s14] =	ssyncadd.s32 $0xFFFFC000  }
0x11: {  	[tilespmem:s17], [sflag:$0x1] =	stream.indirect.gather [hbm4b:s4+s16], $0x80, s19, s16, $0xb8;
	[tilespmem:$0x1F000] =	vst v63  }
0x12: {  	_ =	swait.ge [sflag:s18], $0x4000  }
0x13: {  	[sflag:s18] =	ssyncset.done $0x0  }
0x14: {  	s19 =	sadd.s32 $0x3800, s19;
	[sflag:s18] =	ssyncadd.s32 $0xFFFFC000  }
0x15: {  	[spmem:s2] =	stream.indirect.scatter.add.f32 [tilespmem:s17], [sflag:$0x2], $0x80, s19, s16, $0xb8;
	[tilespmem:$0x1F000] =	vst v63  }
0x16: {  	_ =	swait.ge [sflag:s14], $0x4000  }
0x17: {  	[sflag:s14] =	ssyncset.done $0x0  }
0x18: {  	[sflag:s14] =	ssyncadd.s32 $0xFFFFC000  }
.LBB2_8:
0x19: {  	s3 =	sadd.s32 $0x1, s3  }
0x1a: {  	p1 =	sne.s32 s3, s12  }
.Ltmp1:
0x1b: {  	[bflag:$0x0] =	sbarrier.arrive $0xFFFF;
	(pc) =	sbr.rel @!p1 .LBB2_9-.Ltmp1, $4  }
0x1c: {  	[hbm:s11], [sflag:s6] =	dma.local [spmem:s13], $0x2800  }
0x1d: {  	_ =	swait.ge [sflag:s14], $0x2800  }
0x1e: {  	[sflag:s14] =	ssyncset.done $0x0  }
0x1f: {  	[sflag:s14] =	ssyncadd.s32 $0xFFFFD800  }
.LBB2_1:
.Ltmp2:
0x20: {  	(pc) =	sbr.rel @p0 .LBB2_5-.Ltmp2, $4  }
0x21: {  	[spmem:s13], [sflag:s6] =	dma.local [hbm:s5], $0x2800  }
0x22: {  	_ =	swait.ge [sflag:s14], $0x2800  }
0x23: {  	[sflag:s14] =	ssyncset.done $0x0  }
0x24: {  	s19 =	simm.s32 $0x0;
	[sflag:s14] =	ssyncadd.s32 $0xFFFFD800  }
0x25: {  	[tilespmem:s19], [sflag:$0x2] =	stream.linear.gather [hbm4b:s9+s19], $0x3600, $0x38;
	[tilespmem:$0x1F000] =	vst v63  }
0x26: {  	_ =	swait.ge [sflag:s14], $0x3600  }
0x27: {  	[sflag:s14] =	ssyncset.done $0x0  }
0x28: {  	[sflag:s14] =	ssyncadd.s32 $0xFFFFCA00  }
0x29: {  	[tilespmem:s15], [sflag:$0x2] =	stream.linear.gather [hbm4b:s10+s19], $0x3600, $0x38;
	[tilespmem:$0x1F000] =	vst v63  }
0x2a: {  	_ =	swait.ge [sflag:s14], $0x3600  }
0x2b: {  	[sflag:s14] =	ssyncset.done $0x0  }
0x2c: {  	[sflag:s14] =	ssyncadd.s32 $0xFFFFCA00  }
0x2d: {  	s30 =	simm.s32 $0x0;
	[bflag:$0x0] =	sbarrier.arrive $0xFFFF  }
0x2e: {  	[tilespmem:s17], [sflag:$0x1] =	stream.indirect.gather [hbm4b:s4+s16], $0x80, s30, s16, $0xb8;
	[tilespmem:$0x1F000] =	vst v63  }
0x2f: {  	_ =	swait.ge [sflag:s18], $0x4000  }
0x30: {  	[sflag:s18] =	ssyncset.done $0x0  }
0x31: {  	s31 =	simm.s32 $0x3800;
	[sflag:s18] =	ssyncadd.s32 $0xFFFFC000  }
0x32: {  	[spmem:s2] =	stream.indirect.scatter.add.f32 [tilespmem:s17], [sflag:$0x2], $0x80, s31, s16, $0xb8;
	[tilespmem:$0x1F000] =	vst v63  }
0x33: {  	_ =	swait.ge [sflag:s14], $0x4000  }
0x34: {  	s20 =	simm.s32 $0x400;
	s19 =	simm.s32 $0x200;
	[sflag:s14] =	ssyncset.done $0x0  }
.LBB2_3:
0x35: {  	s21 =	sshra.s32 s19, $0x2  }
0x36: {  	[sflag:s14] =	ssyncadd.s32 $0xFFFFC000;
	s19 =	smov.u32 s20;
	s22 =	sadd.s32 $0x200, s20  }
0x37: {  	[tilespmem:s17], [sflag:$0x1] =	stream.indirect.gather [hbm4b:s4+s16], $0x80, s21, s16, $0xb8;
	[tilespmem:$0x1F000] =	vst v63  }
0x38: {  	p1 =	seq.s32 s20, $0xD600;
	_ =	swait.ge [sflag:s18], $0x4000  }
.Ltmp3:
0x39: {  	[sflag:s18] =	ssyncset.done $0x0;
	(pc) =	sbr.rel @!p1 .LBB2_3-.Ltmp3, $4  }
0x3a: {  	s20 =	sadd.s32 $0x3800, s21;
	[sflag:s18] =	ssyncadd.s32 $0xFFFFC000  }
0x3b: {  	[spmem:s2] =	stream.indirect.scatter.add.f32 [tilespmem:s17], [sflag:$0x2], $0x80, s20, s16, $0xb8;
	[tilespmem:$0x1F000] =	vst v63  }
0x3c: {  	_ =	swait.ge [sflag:s14], $0x4000  }
0x3d: {  	s20 =	smov.u32 s22;
	[sflag:s14] =	ssyncset.done $0x0  }
0x3e: {  	s19 =	sshra.s32 s19, $0x2;
	[sflag:s14] =	ssyncadd.s32 $0xFFFFC000  }
0x3f: {  	[tilespmem:s17], [sflag:$0x1] =	stream.indirect.gather [hbm4b:s4+s16], $0x80, s19, s16, $0xb8;
	[tilespmem:$0x1F000] =	vst v63  }
0x40: {  	_ =	swait.ge [sflag:s18], $0x4000  }
0x41: {  	[sflag:s18] =	ssyncset.done $0x0  }
.Ltmp4:
0x42: {  	s19 =	sadd.s32 $0x3800, s19;
	[sflag:s18] =	ssyncadd.s32 $0xFFFFC000;
	(pc) =	sbr.rel .LBB2_8-.Ltmp4, $4  }
0x43: {  	[spmem:s2] =	stream.indirect.scatter.add.f32 [tilespmem:s17], [sflag:$0x2], $0x80, s19, s16, $0xb8;
	[tilespmem:$0x1F000] =	vst v63  }
0x44: {  	_ =	swait.ge [sflag:s14], $0x4000  }
0x45: {  	[sflag:s14] =	ssyncset.done $0x0  }
0x46: {  	[sflag:s14] =	ssyncadd.s32 $0xFFFFC000  }
.LBB2_5:
0x47: {  	[tilespmem:s19], [sflag:$0x2] =	stream.linear.gather [hbm4b:s7+s19], $0x1900, $0x38;
	[tilespmem:$0x1F000] =	vst v63  }
0x48: {  	_ =	swait.ge [sflag:s14], $0x1900  }
0x49: {  	[sflag:s14] =	ssyncset.done $0x0  }
0x4a: {  	[sflag:s14] =	ssyncadd.s32 $0xFFFFE700  }
0x4b: {  	[tilespmem:s15], [sflag:$0x2] =	stream.linear.gather [hbm4b:s8+s19], $0x1900, $0x38;
	[tilespmem:$0x1F000] =	vst v63  }
0x4c: {  	_ =	swait.ge [sflag:s14], $0x1900  }
0x4d: {  	[sflag:s14] =	ssyncset.done $0x0  }
0x4e: {  	[sflag:s14] =	ssyncadd.s32 $0xFFFFE700  }
0x4f: {  	s30 =	simm.s32 $0x0;
	[bflag:$0x0] =	sbarrier.arrive $0xFFFF  }
0x50: {  	[tilespmem:s17], [sflag:$0x1] =	stream.indirect.gather [hbm4b:s4+s16], $0x80, s30, s16, $0xb8;
	[tilespmem:$0x1F000] =	vst v63  }
0x51: {  	_ =	swait.ge [sflag:s18], $0x4000  }
0x52: {  	[sflag:s18] =	ssyncset.done $0x0  }
0x53: {  	s31 =	simm.s32 $0x3800;
	[sflag:s18] =	ssyncadd.s32 $0xFFFFC000  }
0x54: {  	[spmem:s2] =	stream.indirect.scatter.add.f32 [tilespmem:s17], [sflag:$0x2], $0x80, s31, s16, $0xb8;
	[tilespmem:$0x1F000] =	vst v63  }
0x55: {  	_ =	swait.ge [sflag:s14], $0x4000  }
0x56: {  	s20 =	simm.s32 $0x400;
	s19 =	simm.s32 $0x200;
	[sflag:s14] =	ssyncset.done $0x0  }
.LBB2_6:
0x57: {  	s21 =	sshra.s32 s19, $0x2  }
0x58: {  	[sflag:s14] =	ssyncadd.s32 $0xFFFFC000;
	s19 =	smov.u32 s20;
	s22 =	sadd.s32 $0x200, s20  }
0x59: {  	[tilespmem:s17], [sflag:$0x1] =	stream.indirect.gather [hbm4b:s4+s16], $0x80, s21, s16, $0xb8;
	[tilespmem:$0x1F000] =	vst v63  }
0x5a: {  	p1 =	sne.s32 s20, $0x6200;
	_ =	swait.ge [sflag:s18], $0x4000  }
.Ltmp5:
0x5b: {  	[sflag:s18] =	ssyncset.done $0x0;
	(pc) =	sbr.rel @p1 .LBB2_6-.Ltmp5, $4  }
0x5c: {  	s20 =	sadd.s32 $0x3800, s21;
	[sflag:s18] =	ssyncadd.s32 $0xFFFFC000  }
0x5d: {  	[spmem:s2] =	stream.indirect.scatter.add.f32 [tilespmem:s17], [sflag:$0x2], $0x80, s20, s16, $0xb8;
	[tilespmem:$0x1F000] =	vst v63  }
0x5e: {  	_ =	swait.ge [sflag:s14], $0x4000  }
0x5f: {  	s20 =	smov.u32 s22;
	[sflag:s14] =	ssyncset.done $0x0  }
.Ltmp6:
0x60: {  	_ = 	snop;
	(pc) =	sbr.rel .LBB2_7-.Ltmp6, $1  }
0x61: {  	_ =	sdelay $0x3  }
.LBB2_9:
0x62: {  	_ =	sfence.sel $0x180000  }
0x63: {  	[bflag:$0x0] =	sbarrier.arrive $0xFFFF  }
0x64: {  	p0 =	sne.s32 s0, $0x0;
	_ =	strace $0x9000004A  }
0x65: {  	s0 =	sadd.s32 @!p0 $0x100000, s1;
	[bflag:$0x2] =	sbarrier.arrive $0xFFFF  }
0x66: {  	[sflag:s0] =	ssyncadd.tile.s32 @!p0 $0x1;
	_ =	shalt  }
.Lfunc_end2:
_tile_overlayer_lowered:
.L_overlay_start_2:
0x67: {  	(tag) =	ssettag $0x2  }
0x68: {  	s0 =	rddreg [dreg:$0x0];
	s2 =	stileid.u32  }
0x69: {  	s1 =	rddreg [dreg:$0x1];
	p0 =	sne.s32 s2, $0x0  }
0x6a: {  	s3 =	rddreg [dreg:$0x2];
	[bflag:$0x3] =	sbarrier.arrive $0xFFFF;
	s2 =	simm.s32 @!p0 $0x1C02  }
0x6b: {  	[timem:s3], [sflag:s2] =	dma.local @!p0 [hbm:s0], s1  }
0x6c: {  	s0 =	simm.s32 @!p0 $0x2  }
0x6d: {  	_ =	swait.ge @!p0 [sflag:s0], s1  }
0x6e: {  	s1 =	ssub.s32 @!p0 $0x0, s1;
	[sflag:s0] =	ssyncset.done @!p0 $0x0  }
0x6f: {  	[sflag:s0] =	ssyncadd.s32 @!p0 s1  }
0x70: {  	[bflag:$0x3] =	sbarrier.arrive $0xFFFF  }
0x71: {  	_ =	shalt  }

// kernel: kernel.18.cloned.1.call-start
scs
__scs_entry_jumppad:
0x0: {  	(pc) =	sbr.rel $0x88, $3  }
0x1: {  	(tag) =	ssettag $0x0;
	lr =	simm.s32 $0x1  }
0x2: {  	[smem:$0x3F8E] =	sst lr;
	_ =	strace $0xD0000000  }
0x3: {  	_ = 	snop  }
0x4: {  	_ = 	snop  }
0x5: {  	_ = 	snop  }
0x6: {  	_ = 	snop  }
0x7: {  	_ = 	snop  }
__scs_overlays_trampoline_lowered:
0x8: {  	[smem:$0x3F9D] =	sst s0  }
0x9: {  	[smem:$0x3F9E] =	sst s1  }
0xa: {  	[smem:$0x3F9F] =	sst s2  }
0xb: {  	[smem:$0x3FA0] =	sst s3  }
0xc: {  	[smem:$0x3FA1] =	sst s4  }
0xd: {  	[smem:$0x3FA2] =	sst s5  }
0xe: {  	[smem:$0x3FA3] =	sst s6  }
0xf: {  	[smem:$0x3FA4] =	sst s7  }
0x10: {  	[smem:$0x3FA5] =	sst s8  }
0x11: {  	[smem:$0x3FA6] =	sst s9;
	s0 =	simm.s32 @!p0 $0x0  }
0x12: {  	s1 =	sld [smem:$0x3F8C];
	s0 =	simm.s32 @p0 $0x1  }
0x13: {  	[smem:$0x3FA7] =	sst s0;
	s0 =	simm.s32 @!p1 $0x0  }
0x14: {  	s2 =	sld [smem:$0x3F8B];
	s0 =	simm.s32 @p1 $0x1  }
0x15: {  	[smem:$0x3FA8] =	sst s0;
	s0 =	simm.s32 @!p2 $0x0  }
0x16: {  	s3 =	sld [smem:$0x3FDB];
	s0 =	simm.s32 @p2 $0x1  }
0x17: {  	s4 =	simm.s32 $0x1BF5;
	[smem:$0x3FAA] =	sst s0  }
0x18: {  	s0 =	sld [smem:$0x3F8D];
	_ =	swait.ge [sflag:s4], $0x0  }
0x19: {  	s7 =	sld [smem:$0x3F8E]  }
0x1a: {  	s8 =	sadd.s32 $0xFFFFE003, lr  }
0x1b: {  	s9 =	sadd.s32 $0xFFFFFEF7, lr;
	s5 =	simm.s32 $0xFFFFFFFF;
	p2 =	slt.u32 s8, $0xFFFFF086  }
0x1c: {  	p1 =	slt.u32 s9, $0xF7A;
	s5 =	simm.s32 @!p2 $0x0  }
0x1d: {  	s5 =	simm.s32 @p1 $0x1;
	p0 =	seq.s32 s7, s2  }
0x1e: {  	s7 =	smul.u32 @!p0 $0xF7A, s2;
	p2 =	seq.s32 @!p0 s5, $0x0  }
0x1f: {  	s9 =	smul.u32 $0xF7A, s1;
	s8 =	simm.s32 @!p0 $0x1BF5;
	p2 =	por !p2, p0  }
0x20: {  	[sflag:s8] =	ssyncset.s32 @!p0 $0xFFFFF086;
	s6 =	sadd.s32 @!p0 s3, s7;
	s7 =	simm.s32 @!p0 $0x108  }
0x21: {  	s3 =	sadd.s32 s3, s9;
	s6 =	sadd.s32 @!p0 $0x88, s6;
	s7 =	simm.s32 @p2 $0x1082  }
0x22: {  	[simem:s7], [sflag:s8] =	dma.local @!p0 [hbm:s6], $0xF7A  }
0x23: {  	s9 =	sor.u32 $0xD0000000, s2;
	s6 =	simm.s32 $0x108;
	_ =	swait.ge @!p0 [sflag:s8], $0x0  }
0x24: {  	s3 =	sadd.s32 $0x88, s3;
	s6 =	simm.s32 @!p1 $0x1082;
	[sflag:s4] =	ssyncset.s32 $0xFFFFF086  }
0x25: {  	[simem:s6], [sflag:s4] =	dma.local [hbm:s3], $0xF7A  }
0x26: {  	[smem:$0x3F8E] =	sst s1;
	(tag) =	ssettag s2;
	_ =	strace s9  }
0x27: {  	s1 =	sld [smem:$0x3F9E]  }
0x28: {  	s2 =	sld [smem:$0x3F9F]  }
0x29: {  	s4 =	sld [smem:$0x3FA1]  }
0x2a: {  	p0 =	seq.s32 s5, $0x0;
	s5 =	sld [smem:$0x3FA2]  }
0x2b: {  	s6 =	sld [smem:$0x3FA3]  }
0x2c: {  	s7 =	sld [smem:$0x3FA4]  }
0x2d: {  	s3 =	simm.s32 $0x108;
	s8 =	sld [smem:$0x3FA5]  }
0x2e: {  	s3 =	simm.s32 @!p0 $0x1082;
	s9 =	sld [smem:$0x3FA6]  }
0x2f: {  	lr =	sadd.s32 s0, s3;
	s0 =	sld [smem:$0x3F9D]  }
0x30: {  	s3 =	sld [smem:$0x3FA0]  }
0x31: {  	[smem:$0x3FA9] =	sst s10  }
0x32: {  	s10 =	sld [smem:$0x3FA7];
	_ =	sdelay $0x3  }
0x33: {  	p0 =	seq.s32 s10, $0x1;
	s10 =	sld [smem:$0x3FA9];
	_ =	sdelay $0x3  }
0x34: {  	[smem:$0x3FA9] =	sst s10  }
0x35: {  	s10 =	sld [smem:$0x3FA8];
	_ =	sdelay $0x3  }
0x36: {  	p1 =	seq.s32 s10, $0x1;
	s10 =	sld [smem:$0x3FA9];
	_ =	sdelay $0x3  }
0x37: {  	[smem:$0x3FA9] =	sst s10  }
0x38: {  	s10 =	sld [smem:$0x3FAA]  }
0x39: {  	_ = 	snop;
	(pc) =	sbr.ind lr, $3  }
0x3a: {  	_ = 	snop  }
0x3b: {  	_ = 	snop  }
0x3c: {  	p2 =	seq.s32 s10, $0x1;
	s10 =	sld [smem:$0x3FA9]  }
0x3d: {  	_ =	shalt  }
0x3e: {  	_ =	shalt  }
0x3f: {  	_ =	shalt  }
0x40: {  	_ =	shalt  }
0x41: {  	_ =	shalt  }
0x42: {  	_ =	shalt  }
0x43: {  	_ =	shalt  }
0x44: {  	_ =	shalt  }
0x45: {  	_ =	shalt  }
0x46: {  	_ =	shalt  }
0x47: {  	_ =	shalt  }
0x48: {  	_ =	shalt  }
0x49: {  	_ =	shalt  }
0x4a: {  	_ =	shalt  }
0x4b: {  	_ =	shalt  }
0x4c: {  	_ =	shalt  }
0x4d: {  	_ =	shalt  }
0x4e: {  	_ =	shalt  }
0x4f: {  	_ =	shalt  }
0x50: {  	_ =	shalt  }
0x51: {  	_ =	shalt  }
0x52: {  	_ =	shalt  }
0x53: {  	_ =	shalt  }
0x54: {  	_ =	shalt  }
0x55: {  	_ =	shalt  }
0x56: {  	_ =	shalt  }
0x57: {  	_ =	shalt  }
0x58: {  	_ =	shalt  }
0x59: {  	_ =	shalt  }
0x5a: {  	_ =	shalt  }
0x5b: {  	_ =	shalt  }
0x5c: {  	_ =	shalt  }
0x5d: {  	_ =	shalt  }
0x5e: {  	_ =	shalt  }
0x5f: {  	_ =	shalt  }
0x60: {  	_ =	shalt  }
0x61: {  	_ =	shalt  }
0x62: {  	_ =	shalt  }
0x63: {  	_ =	shalt  }
0x64: {  	_ =	shalt  }
0x65: {  	_ =	shalt  }
0x66: {  	_ =	shalt  }
0x67: {  	_ =	shalt  }
0x68: {  	_ =	shalt  }
0x69: {  	_ =	shalt  }
0x6a: {  	_ =	shalt  }
0x6b: {  	_ =	shalt  }
0x6c: {  	_ =	shalt  }
0x6d: {  	_ =	shalt  }
0x6e: {  	_ =	shalt  }
0x6f: {  	_ =	shalt  }
0x70: {  	_ =	shalt  }
0x71: {  	_ =	shalt  }
0x72: {  	_ =	shalt  }
0x73: {  	_ =	shalt  }
0x74: {  	_ =	shalt  }
0x75: {  	_ =	shalt  }
0x76: {  	_ =	shalt  }
0x77: {  	_ =	shalt  }
0x78: {  	_ =	shalt  }
0x79: {  	_ =	shalt  }
0x7a: {  	_ =	shalt  }
0x7b: {  	_ =	shalt  }
0x7c: {  	_ =	shalt  }
0x7d: {  	_ =	shalt  }
0x7e: {  	_ =	shalt  }
0x7f: {  	_ =	shalt  }
0x80: {  	_ =	shalt  }
0x81: {  	_ =	shalt  }
0x82: {  	_ =	shalt  }
0x83: {  	_ =	shalt  }
0x84: {  	_ =	shalt  }
0x85: {  	_ =	shalt  }
0x86: {  	_ =	shalt  }
0x87: {  	_ =	shalt  }
.Lfunc_end0:
.L_simem_size_0:
called_computation.2_lowered:
.L_overlay_start_0:
0x88: {  	s2 =	sld [smem:$0x3FD9]  }
0x89: {  	s3 =	sld [smem:$0x3FFE];
	_ =	sdelay $0x1  }
0x8a: {  	s1 =	srdreg.scid  }
0x8b: {  	s0 =	sand.u32 $0x1, s1  }
0x8c: {  	s16 =	sshll.u32 s0, $0xA;
	s2 =	sadd.s32 s3, s2  }
0x8d: {  	s2 =	sadd.s32 s2, s16  }
0x8e: {  	[smem:$0x3FB5] =	sst s2  }
0x8f: {  	_ = 	snop  }
0x90: {  	(tm) =	ssettm $0x1  }
0x91: {  	s17 =	sld [smem:$0x3FFB];
	_ =	sdelay $0x3  }
0x92: {  	_ =	strace s17  }
0x93: {  	s2 =	sld [smem:$0x3FFC];
	_ =	sdelay $0x3  }
0x94: {  	_ =	strace s2  }
0x95: {  	s2 =	sld [smem:$0x3FFD];
	_ =	sdelay $0x3  }
0x96: {  	_ =	strace s2  }
0x97: {  	_ =	strace $0x8FFFFFFF  }
0x98: {  	s18 =	sld [smem:$0x3FDB];
	_ =	sdelay $0x1  }
0x99: {  	s19 =	simm.s32 $_scs_section_size  }
0x9a: {  	s4 =	simm.s32 $_size__tile_overlayer_lowered;
	s5 =	simm.s32 $_tile_overlayer_lowered  }
0x9b: {  	s22 =	simm.s32 $0x1BFF;
	s21 =	sshll.u32 s5, $0x1;
	s2 =	sadd.s32 s19, s18  }
0x9c: {  	s6 =	simm.s32 $0x0;
	s20 =	sshll.u32 s4, $0x1;
	s4 =	sadd.s32 s21, s2  }
0x9d: {  	[timem:s6], [sflag:s22] =	dma.local [hbm:s4], s20  }
0x9e: {  	_ =	swait.ge [sflag:s22], s20  }
0x9f: {  	s3 =	ssub.s32 $0x0, s20;
	[sflag:s22] =	ssyncset.done $0x0  }
0xa0: {  	[sflag:s22] =	ssyncadd.s32 s3;
	_ =	sdelay $0x1  }
0xa1: {  	s23 =	simm.s32 $0x1B8B  }
0xa2: {  	_ =	swait.ge [sflag:s23], $0x1  }
0xa3: {  	[sflag:s23] =	ssyncset.done $0x0  }
0xa4: {  	s25 =	simm.s32 $0x1B8E;
	s24 =	sld [smem:$0x3FFE];
	[sflag:s23] =	ssyncadd.s32 $0xFFFFFFFF  }
0xa5: {  	s26 =	simm.s32 $execute0_lowered;
	[smem:$0x3FD2] =	sst s25  }
0xa6: {  	s4 =	sshll.u32 s26, $0x1;
	_ =	strace $0x8000004C;
	[dreg:$0x1] =	wrdreg $0xFFFFFFFF  }
0xa7: {  	s28 =	simm.s32 $_size_execute0_lowered;
	s2 =	sadd.s32 s2, s4;
	[dreg:$0x0] =	wrdreg $0x0  }
0xa8: {  	s4 =	sshll.u32 s28, $0x1;
	[dreg:$0x2] =	wrdreg s2  }
0xa9: {  	[dreg:$0x3] =	wrdreg s4  }
0xaa: {  	[dreg:$0x4] =	wrdreg $0xC0  }
0xab: {  	_ =	task [dreg:s6], $0x5FFFF  }
0xac: {  	[dreg:$0x1] =	wrdreg $0xFFFFFFFF  }
0xad: {  	[dreg:$0x0] =	wrdreg $0x60  }
0xae: {  	[dreg:$0x2] =	wrdreg s24  }
0xaf: {  	[dreg:$0x3] =	wrdreg $0xB0000  }
0xb0: {  	[dreg:$0x4] =	wrdreg $0x9  }
0xb1: {  	_ =	task.clear_ibuf [dreg:s6], $0x5FFFF;
	_ =	strace $0x9000004C  }
0xb2: {  	s29 =	simm.s32 $0x9;
	_ =	strace $0x8000004E  }
0xb3: {  	_ =	swait.ge [sflag:s29], $0x1  }
0xb4: {  	[sflag:s29] =	ssyncadd.s32 $0xFFFFFFFF  }
0xb5: {  	_ =	strace $0x9000004E  }
0xb6: {  	_ =	sfence  }
0xb7: {  	s30 =	sld [smem:$0x0];
	_ =	sdelay $0x2  }
0xb8: {  	s31 =	sshll.u32 s1, $0xD;
	s1 =	sshrl.u32 s1, $0x2  }
0xb9: {  	s3 =	sand.u32 $0x4000, s31;
	s1 =	sadd.s32 s1, s30  }
0xba: {  	s0 =	sor.u32 s3, s0;
	s1 =	sshll.u32 s1, $0x11  }
0xbb: {  	s0 =	sor.u32 s1, s0  }
0xbc: {  	s0 =	sadd.s32 $0x8F2B, s0  }
0xbd: {  	[sflag:s0] =	ssyncadd.remote.s32 $0x1  }
0xbe: {  	_ =	sfence.sel $0xFFFF  }
0xbf: {  	[dreg:$0x0] =	wrdreg $0xFFFFFFFF;
	(pc) =	sbr.abs _section_cstart, $3  }
0xc0: {  	[dreg:$0x1] =	wrdreg $0xFFFFFFFF  }
0xc1: {  	_ =	task.clear_ibuf [dreg:s6], $0x2FFFF;
	_ =	strace $0x9FFFFFFF  }
0xc2: {  	(tm) =	ssettm $0x7FFFFFFF  }
0xc3: {  	_ =	shalt  }
tec
execute0_lowered:
.L_overlay_start_1:
0x0: {  	(tag) =	ssettag $0x1  }
0x1: {  	s6 =	rddreg [dreg:$0x0]  }
0x2: {  	s0 =	stileid.u32;
	s1 =	srdreg.scid  }
0x3: {  	s2 =	rddreg [dreg:$0x1];
	s3 =	simm.s32 $0x0;
	s5 =	smul.u32 $0x700, s0  }
0x4: {  	s16 =	simm.s32 $0x80;
	s17 =	simm.s32 $0x7000;
	s7 =	smul.u32 $0x380, s0  }
0x5: {  	s13 =	sand.u32 $0x1, s1;
	s1 =	rddreg [dreg:$0x2];
	s9 =	smul.u32 $0x14000, s0  }
0x6: {  	s18 =	simm.s32 $0x1;
	[smem:$0x7FF] =	sst s3;
	s28 =	smul.u32 $0x50000, s0  }
0x7: {  	s4 =	sadd.s32 $0x10200, s6;
	s31 =	sshll.u32 s0, $0x6;
	s8 =	smul.u32 $0x140000, s13  }
0x8: {  	_ =	strace $0x8000004D;
	s26 =	ssub.s32 $0x2, s13;
	p0 =	sne.s32 s13, $0x0  }
0x9: {  	s10 =	sadd.s32 s5, s6;
	s11 =	sadd.s32 s7, s6;
	s5 =	sadd.s32 $0xDA00, s6  }
0xa: {  	s29 =	sshrl.u32 s26, $0x1;
	s30 =	sshrl.u32 s28, $0x2;
	s24 =	sadd.s32 s9, s8  }
.Ltmp0:
0xb: {  	s14 =	ssub.s32 s26, s29;
	s15 =	sadd.s32 s30, s2;
	(pc) =	sbr.rel .LBB2_1-.Ltmp0, $4  }
0xc: {  	s7 =	sadd.s32 $0x60A00, s11;
	s8 =	sadd.s32 $0x64200, s11;
	s9 =	sadd.s32 $0x67A00, s10  }
0xd: {  	s10 =	sadd.s32 $0x6EA00, s10;
	s25 =	sshrl.u32 s24, $0x3;
	s13 =	sshrl.u32 s15, $0x3  }
0xe: {  	s15 =	simm.s32 $0x3800;
	s12 =	sadd.s32 s25, s6;
	s6 =	sor.u32 $0x1C02, s31  }
0xf: {  	s11 =	sadd.s32 $0x75A00, s12;
	s12 =	smax.u32 s14, $0x1;
	s14 =	simm.s32 $0x2  }
.LBB2_7:
0x10: {  	s19 =	sshra.s32 s19, $0x2;
	[sflag:s14] =	ssyncadd.s32 $0xFFFFC000  }
0x11: {  	[tilespmem:s17], [sflag:$0x1] =	stream.indirect.gather [hbm4b:s4+s16], $0x80, s19, s16, $0xb8;
	[tilespmem:$0x1F000] =	vst v63  }
0x12: {  	_ =	swait.ge [sflag:s18], $0x4000  }
0x13: {  	[sflag:s18] =	ssyncset.done $0x0  }
0x14: {  	s19 =	sadd.s32 $0x3800, s19;
	[sflag:s18] =	ssyncadd.s32 $0xFFFFC000  }
0x15: {  	[spmem:s2] =	stream.indirect.scatter.add.f32 [tilespmem:s17], [sflag:$0x2], $0x80, s19, s16, $0xb8;
	[tilespmem:$0x1F000] =	vst v63  }
0x16: {  	_ =	swait.ge [sflag:s14], $0x4000  }
0x17: {  	[sflag:s14] =	ssyncset.done $0x0  }
0x18: {  	[sflag:s14] =	ssyncadd.s32 $0xFFFFC000  }
.LBB2_8:
0x19: {  	s3 =	sadd.s32 $0x1, s3  }
0x1a: {  	p1 =	sne.s32 s3, s12  }
.Ltmp1:
0x1b: {  	[bflag:$0x0] =	sbarrier.arrive $0xFFFF;
	(pc) =	sbr.rel @!p1 .LBB2_9-.Ltmp1, $4  }
0x1c: {  	[hbm:s11], [sflag:s6] =	dma.local [spmem:s13], $0x2800  }
0x1d: {  	_ =	swait.ge [sflag:s14], $0x2800  }
0x1e: {  	[sflag:s14] =	ssyncset.done $0x0  }
0x1f: {  	[sflag:s14] =	ssyncadd.s32 $0xFFFFD800  }
.LBB2_1:
.Ltmp2:
0x20: {  	(pc) =	sbr.rel @p0 .LBB2_5-.Ltmp2, $4  }
0x21: {  	[spmem:s13], [sflag:s6] =	dma.local [hbm:s5], $0x2800  }
0x22: {  	_ =	swait.ge [sflag:s14], $0x2800  }
0x23: {  	[sflag:s14] =	ssyncset.done $0x0  }
0x24: {  	s19 =	simm.s32 $0x0;
	[sflag:s14] =	ssyncadd.s32 $0xFFFFD800  }
0x25: {  	[tilespmem:s19], [sflag:$0x2] =	stream.linear.gather [hbm4b:s9+s19], $0x3600, $0x38;
	[tilespmem:$0x1F000] =	vst v63  }
0x26: {  	_ =	swait.ge [sflag:s14], $0x3600  }
0x27: {  	[sflag:s14] =	ssyncset.done $0x0  }
0x28: {  	[sflag:s14] =	ssyncadd.s32 $0xFFFFCA00  }
0x29: {  	[tilespmem:s15], [sflag:$0x2] =	stream.linear.gather [hbm4b:s10+s19], $0x3600, $0x38;
	[tilespmem:$0x1F000] =	vst v63  }
0x2a: {  	_ =	swait.ge [sflag:s14], $0x3600  }
0x2b: {  	[sflag:s14] =	ssyncset.done $0x0  }
0x2c: {  	[sflag:s14] =	ssyncadd.s32 $0xFFFFCA00  }
0x2d: {  	s30 =	simm.s32 $0x0;
	[bflag:$0x0] =	sbarrier.arrive $0xFFFF  }
0x2e: {  	[tilespmem:s17], [sflag:$0x1] =	stream.indirect.gather [hbm4b:s4+s16], $0x80, s30, s16, $0xb8;
	[tilespmem:$0x1F000] =	vst v63  }
0x2f: {  	_ =	swait.ge [sflag:s18], $0x4000  }
0x30: {  	[sflag:s18] =	ssyncset.done $0x0  }
0x31: {  	s31 =	simm.s32 $0x3800;
	[sflag:s18] =	ssyncadd.s32 $0xFFFFC000  }
0x32: {  	[spmem:s2] =	stream.indirect.scatter.add.f32 [tilespmem:s17], [sflag:$0x2], $0x80, s31, s16, $0xb8;
	[tilespmem:$0x1F000] =	vst v63  }
0x33: {  	_ =	swait.ge [sflag:s14], $0x4000  }
0x34: {  	s20 =	simm.s32 $0x400;
	s19 =	simm.s32 $0x200;
	[sflag:s14] =	ssyncset.done $0x0  }
.LBB2_3:
0x35: {  	s21 =	sshra.s32 s19, $0x2  }
0x36: {  	[sflag:s14] =	ssyncadd.s32 $0xFFFFC000;
	s19 =	smov.u32 s20;
	s22 =	sadd.s32 $0x200, s20  }
0x37: {  	[tilespmem:s17], [sflag:$0x1] =	stream.indirect.gather [hbm4b:s4+s16], $0x80, s21, s16, $0xb8;
	[tilespmem:$0x1F000] =	vst v63  }
0x38: {  	p1 =	seq.s32 s20, $0xD600;
	_ =	swait.ge [sflag:s18], $0x4000  }
.Ltmp3:
0x39: {  	[sflag:s18] =	ssyncset.done $0x0;
	(pc) =	sbr.rel @!p1 .LBB2_3-.Ltmp3, $4  }
0x3a: {  	s20 =	sadd.s32 $0x3800, s21;
	[sflag:s18] =	ssyncadd.s32 $0xFFFFC000  }
0x3b: {  	[spmem:s2] =	stream.indirect.scatter.add.f32 [tilespmem:s17], [sflag:$0x2], $0x80, s20, s16, $0xb8;
	[tilespmem:$0x1F000] =	vst v63  }
0x3c: {  	_ =	swait.ge [sflag:s14], $0x4000  }
0x3d: {  	s20 =	smov.u32 s22;
	[sflag:s14] =	ssyncset.done $0x0  }
0x3e: {  	s19 =	sshra.s32 s19, $0x2;
	[sflag:s14] =	ssyncadd.s32 $0xFFFFC000  }
0x3f: {  	[tilespmem:s17], [sflag:$0x1] =	stream.indirect.gather [hbm4b:s4+s16], $0x80, s19, s16, $0xb8;
	[tilespmem:$0x1F000] =	vst v63  }
0x40: {  	_ =	swait.ge [sflag:s18], $0x4000  }
0x41: {  	[sflag:s18] =	ssyncset.done $0x0  }
.Ltmp4:
0x42: {  	s19 =	sadd.s32 $0x3800, s19;
	[sflag:s18] =	ssyncadd.s32 $0xFFFFC000;
	(pc) =	sbr.rel .LBB2_8-.Ltmp4, $4  }
0x43: {  	[spmem:s2] =	stream.indirect.scatter.add.f32 [tilespmem:s17], [sflag:$0x2], $0x80, s19, s16, $0xb8;
	[tilespmem:$0x1F000] =	vst v63  }
0x44: {  	_ =	swait.ge [sflag:s14], $0x4000  }
0x45: {  	[sflag:s14] =	ssyncset.done $0x0  }
0x46: {  	[sflag:s14] =	ssyncadd.s32 $0xFFFFC000  }
.LBB2_5:
0x47: {  	[tilespmem:s19], [sflag:$0x2] =	stream.linear.gather [hbm4b:s7+s19], $0x1900, $0x38;
	[tilespmem:$0x1F000] =	vst v63  }
0x48: {  	_ =	swait.ge [sflag:s14], $0x1900  }
0x49: {  	[sflag:s14] =	ssyncset.done $0x0  }
0x4a: {  	[sflag:s14] =	ssyncadd.s32 $0xFFFFE700  }
0x4b: {  	[tilespmem:s15], [sflag:$0x2] =	stream.linear.gather [hbm4b:s8+s19], $0x1900, $0x38;
	[tilespmem:$0x1F000] =	vst v63  }
0x4c: {  	_ =	swait.ge [sflag:s14], $0x1900  }
0x4d: {  	[sflag:s14] =	ssyncset.done $0x0  }
0x4e: {  	[sflag:s14] =	ssyncadd.s32 $0xFFFFE700  }
0x4f: {  	s30 =	simm.s32 $0x0;
	[bflag:$0x0] =	sbarrier.arrive $0xFFFF  }
0x50: {  	[tilespmem:s17], [sflag:$0x1] =	stream.indirect.gather [hbm4b:s4+s16], $0x80, s30, s16, $0xb8;
	[tilespmem:$0x1F000] =	vst v63  }
0x51: {  	_ =	swait.ge [sflag:s18], $0x4000  }
0x52: {  	[sflag:s18] =	ssyncset.done $0x0  }
0x53: {  	s31 =	simm.s32 $0x3800;
	[sflag:s18] =	ssyncadd.s32 $0xFFFFC000  }
0x54: {  	[spmem:s2] =	stream.indirect.scatter.add.f32 [tilespmem:s17], [sflag:$0x2], $0x80, s31, s16, $0xb8;
	[tilespmem:$0x1F000] =	vst v63  }
0x55: {  	_ =	swait.ge [sflag:s14], $0x4000  }
0x56: {  	s20 =	simm.s32 $0x400;
	s19 =	simm.s32 $0x200;
	[sflag:s14] =	ssyncset.done $0x0  }
.LBB2_6:
0x57: {  	s21 =	sshra.s32 s19, $0x2  }
0x58: {  	[sflag:s14] =	ssyncadd.s32 $0xFFFFC000;
	s19 =	smov.u32 s20;
	s22 =	sadd.s32 $0x200, s20  }
0x59: {  	[tilespmem:s17], [sflag:$0x1] =	stream.indirect.gather [hbm4b:s4+s16], $0x80, s21, s16, $0xb8;
	[tilespmem:$0x1F000] =	vst v63  }
0x5a: {  	p1 =	sne.s32 s20, $0x6200;
	_ =	swait.ge [sflag:s18], $0x4000  }
.Ltmp5:
0x5b: {  	[sflag:s18] =	ssyncset.done $0x0;
	(pc) =	sbr.rel @p1 .LBB2_6-.Ltmp5, $4  }
0x5c: {  	s20 =	sadd.s32 $0x3800, s21;
	[sflag:s18] =	ssyncadd.s32 $0xFFFFC000  }
0x5d: {  	[spmem:s2] =	stream.indirect.scatter.add.f32 [tilespmem:s17], [sflag:$0x2], $0x80, s20, s16, $0xb8;
	[tilespmem:$0x1F000] =	vst v63  }
0x5e: {  	_ =	swait.ge [sflag:s14], $0x4000  }
0x5f: {  	s20 =	smov.u32 s22;
	[sflag:s14] =	ssyncset.done $0x0  }
.Ltmp6:
0x60: {  	_ = 	snop;
	(pc) =	sbr.rel .LBB2_7-.Ltmp6, $1  }
0x61: {  	_ =	sdelay $0x3  }
.LBB2_9:
0x62: {  	_ =	sfence.sel $0x180000  }
0x63: {  	[bflag:$0x0] =	sbarrier.arrive $0xFFFF  }
0x64: {  	p0 =	sne.s32 s0, $0x0;
	_ =	strace $0x9000004D  }
0x65: {  	s0 =	sadd.s32 @!p0 $0x100000, s1;
	[bflag:$0x2] =	sbarrier.arrive $0xFFFF  }
0x66: {  	[sflag:s0] =	ssyncadd.tile.s32 @!p0 $0x1;
	_ =	shalt  }
.Lfunc_end2:
_tile_overlayer_lowered:
.L_overlay_start_2:
0x67: {  	(tag) =	ssettag $0x2  }
0x68: {  	s0 =	rddreg [dreg:$0x0];
	s2 =	stileid.u32  }
0x69: {  	s1 =	rddreg [dreg:$0x1];
	p0 =	sne.s32 s2, $0x0  }
0x6a: {  	s3 =	rddreg [dreg:$0x2];
	[bflag:$0x3] =	sbarrier.arrive $0xFFFF;
	s2 =	simm.s32 @!p0 $0x1C02  }
0x6b: {  	[timem:s3], [sflag:s2] =	dma.local @!p0 [hbm:s0], s1  }
0x6c: {  	s0 =	simm.s32 @!p0 $0x2  }
0x6d: {  	_ =	swait.ge @!p0 [sflag:s0], s1  }
0x6e: {  	s1 =	ssub.s32 @!p0 $0x0, s1;
	[sflag:s0] =	ssyncset.done @!p0 $0x0  }
0x6f: {  	[sflag:s0] =	ssyncadd.s32 @!p0 s1  }
0x70: {  	[bflag:$0x3] =	sbarrier.arrive $0xFFFF  }
0x71: {  	_ =	shalt  }

// kernel: kernel.21.cloned.1.call-start
scs
__scs_entry_jumppad:
0x0: {  	(pc) =	sbr.rel $0x88, $3  }
0x1: {  	(tag) =	ssettag $0x0;
	lr =	simm.s32 $0x1  }
0x2: {  	[smem:$0x3F8E] =	sst lr;
	_ =	strace $0xD0000000  }
0x3: {  	_ = 	snop  }
0x4: {  	_ = 	snop  }
0x5: {  	_ = 	snop  }
0x6: {  	_ = 	snop  }
0x7: {  	_ = 	snop  }
__scs_overlays_trampoline_lowered:
0x8: {  	[smem:$0x3F9D] =	sst s0  }
0x9: {  	[smem:$0x3F9E] =	sst s1  }
0xa: {  	[smem:$0x3F9F] =	sst s2  }
0xb: {  	[smem:$0x3FA0] =	sst s3  }
0xc: {  	[smem:$0x3FA1] =	sst s4  }
0xd: {  	[smem:$0x3FA2] =	sst s5  }
0xe: {  	[smem:$0x3FA3] =	sst s6  }
0xf: {  	[smem:$0x3FA4] =	sst s7  }
0x10: {  	[smem:$0x3FA5] =	sst s8  }
0x11: {  	[smem:$0x3FA6] =	sst s9;
	s0 =	simm.s32 @!p0 $0x0  }
0x12: {  	s1 =	sld [smem:$0x3F8C];
	s0 =	simm.s32 @p0 $0x1  }
0x13: {  	[smem:$0x3FA7] =	sst s0;
	s0 =	simm.s32 @!p1 $0x0  }
0x14: {  	s2 =	sld [smem:$0x3F8B];
	s0 =	simm.s32 @p1 $0x1  }
0x15: {  	[smem:$0x3FA8] =	sst s0;
	s0 =	simm.s32 @!p2 $0x0  }
0x16: {  	s3 =	sld [smem:$0x3FDB];
	s0 =	simm.s32 @p2 $0x1  }
0x17: {  	s4 =	simm.s32 $0x1BF5;
	[smem:$0x3FAA] =	sst s0  }
0x18: {  	s0 =	sld [smem:$0x3F8D];
	_ =	swait.ge [sflag:s4], $0x0  }
0x19: {  	s7 =	sld [smem:$0x3F8E]  }
0x1a: {  	s8 =	sadd.s32 $0xFFFFE003, lr  }
0x1b: {  	s9 =	sadd.s32 $0xFFFFFEF7, lr;
	s5 =	simm.s32 $0xFFFFFFFF;
	p2 =	slt.u32 s8, $0xFFFFF086  }
0x1c: {  	p1 =	slt.u32 s9, $0xF7A;
	s5 =	simm.s32 @!p2 $0x0  }
0x1d: {  	s5 =	simm.s32 @p1 $0x1;
	p0 =	seq.s32 s7, s2  }
0x1e: {  	s7 =	smul.u32 @!p0 $0xF7A, s2;
	p2 =	seq.s32 @!p0 s5, $0x0  }
0x1f: {  	s9 =	smul.u32 $0xF7A, s1;
	s8 =	simm.s32 @!p0 $0x1BF5;
	p2 =	por !p2, p0  }
0x20: {  	[sflag:s8] =	ssyncset.s32 @!p0 $0xFFFFF086;
	s6 =	sadd.s32 @!p0 s3, s7;
	s7 =	simm.s32 @!p0 $0x108  }
0x21: {  	s3 =	sadd.s32 s3, s9;
	s6 =	sadd.s32 @!p0 $0x88, s6;
	s7 =	simm.s32 @p2 $0x1082  }
0x22: {  	[simem:s7], [sflag:s8] =	dma.local @!p0 [hbm:s6], $0xF7A  }
0x23: {  	s9 =	sor.u32 $0xD0000000, s2;
	s6 =	simm.s32 $0x108;
	_ =	swait.ge @!p0 [sflag:s8], $0x0  }
0x24: {  	s3 =	sadd.s32 $0x88, s3;
	s6 =	simm.s32 @!p1 $0x1082;
	[sflag:s4] =	ssyncset.s32 $0xFFFFF086  }
0x25: {  	[simem:s6], [sflag:s4] =	dma.local [hbm:s3], $0xF7A  }
0x26: {  	[smem:$0x3F8E] =	sst s1;
	(tag) =	ssettag s2;
	_ =	strace s9  }
0x27: {  	s1 =	sld [smem:$0x3F9E]  }
0x28: {  	s2 =	sld [smem:$0x3F9F]  }
0x29: {  	s4 =	sld [smem:$0x3FA1]  }
0x2a: {  	p0 =	seq.s32 s5, $0x0;
	s5 =	sld [smem:$0x3FA2]  }
0x2b: {  	s6 =	sld [smem:$0x3FA3]  }
0x2c: {  	s7 =	sld [smem:$0x3FA4]  }
0x2d: {  	s3 =	simm.s32 $0x108;
	s8 =	sld [smem:$0x3FA5]  }
0x2e: {  	s3 =	simm.s32 @!p0 $0x1082;
	s9 =	sld [smem:$0x3FA6]  }
0x2f: {  	lr =	sadd.s32 s0, s3;
	s0 =	sld [smem:$0x3F9D]  }
0x30: {  	s3 =	sld [smem:$0x3FA0]  }
0x31: {  	[smem:$0x3FA9] =	sst s10  }
0x32: {  	s10 =	sld [smem:$0x3FA7];
	_ =	sdelay $0x3  }
0x33: {  	p0 =	seq.s32 s10, $0x1;
	s10 =	sld [smem:$0x3FA9];
	_ =	sdelay $0x3  }
0x34: {  	[smem:$0x3FA9] =	sst s10  }
0x35: {  	s10 =	sld [smem:$0x3FA8];
	_ =	sdelay $0x3  }
0x36: {  	p1 =	seq.s32 s10, $0x1;
	s10 =	sld [smem:$0x3FA9];
	_ =	sdelay $0x3  }
0x37: {  	[smem:$0x3FA9] =	sst s10  }
0x38: {  	s10 =	sld [smem:$0x3FAA]  }
0x39: {  	_ = 	snop;
	(pc) =	sbr.ind lr, $3  }
0x3a: {  	_ = 	snop  }
0x3b: {  	_ = 	snop  }
0x3c: {  	p2 =	seq.s32 s10, $0x1;
	s10 =	sld [smem:$0x3FA9]  }
0x3d: {  	_ =	shalt  }
0x3e: {  	_ =	shalt  }
0x3f: {  	_ =	shalt  }
0x40: {  	_ =	shalt  }
0x41: {  	_ =	shalt  }
0x42: {  	_ =	shalt  }
0x43: {  	_ =	shalt  }
0x44: {  	_ =	shalt  }
0x45: {  	_ =	shalt  }
0x46: {  	_ =	shalt  }
0x47: {  	_ =	shalt  }
0x48: {  	_ =	shalt  }
0x49: {  	_ =	shalt  }
0x4a: {  	_ =	shalt  }
0x4b: {  	_ =	shalt  }
0x4c: {  	_ =	shalt  }
0x4d: {  	_ =	shalt  }
0x4e: {  	_ =	shalt  }
0x4f: {  	_ =	shalt  }
0x50: {  	_ =	shalt  }
0x51: {  	_ =	shalt  }
0x52: {  	_ =	shalt  }
0x53: {  	_ =	shalt  }
0x54: {  	_ =	shalt  }
0x55: {  	_ =	shalt  }
0x56: {  	_ =	shalt  }
0x57: {  	_ =	shalt  }
0x58: {  	_ =	shalt  }
0x59: {  	_ =	shalt  }
0x5a: {  	_ =	shalt  }
0x5b: {  	_ =	shalt  }
0x5c: {  	_ =	shalt  }
0x5d: {  	_ =	shalt  }
0x5e: {  	_ =	shalt  }
0x5f: {  	_ =	shalt  }
0x60: {  	_ =	shalt  }
0x61: {  	_ =	shalt  }
0x62: {  	_ =	shalt  }
0x63: {  	_ =	shalt  }
0x64: {  	_ =	shalt  }
0x65: {  	_ =	shalt  }
0x66: {  	_ =	shalt  }
0x67: {  	_ =	shalt  }
0x68: {  	_ =	shalt  }
0x69: {  	_ =	shalt  }
0x6a: {  	_ =	shalt  }
0x6b: {  	_ =	shalt  }
0x6c: {  	_ =	shalt  }
0x6d: {  	_ =	shalt  }
0x6e: {  	_ =	shalt  }
0x6f: {  	_ =	shalt  }
0x70: {  	_ =	shalt  }
0x71: {  	_ =	shalt  }
0x72: {  	_ =	shalt  }
0x73: {  	_ =	shalt  }
0x74: {  	_ =	shalt  }
0x75: {  	_ =	shalt  }
0x76: {  	_ =	shalt  }
0x77: {  	_ =	shalt  }
0x78: {  	_ =	shalt  }
0x79: {  	_ =	shalt  }
0x7a: {  	_ =	shalt  }
0x7b: {  	_ =	shalt  }
0x7c: {  	_ =	shalt  }
0x7d: {  	_ =	shalt  }
0x7e: {  	_ =	shalt  }
0x7f: {  	_ =	shalt  }
0x80: {  	_ =	shalt  }
0x81: {  	_ =	shalt  }
0x82: {  	_ =	shalt  }
0x83: {  	_ =	shalt  }
0x84: {  	_ =	shalt  }
0x85: {  	_ =	shalt  }
0x86: {  	_ =	shalt  }
0x87: {  	_ =	shalt  }
.Lfunc_end0:
.L_simem_size_0:
called_computation.3_lowered:
.L_overlay_start_0:
0x88: {  	s2 =	sld [smem:$0x3FD9]  }
0x89: {  	s3 =	sld [smem:$0x3FFE];
	_ =	sdelay $0x1  }
0x8a: {  	s1 =	srdreg.scid  }
0x8b: {  	s0 =	sand.u32 $0x1, s1  }
0x8c: {  	s16 =	sshll.u32 s0, $0xA;
	s2 =	sadd.s32 s3, s2  }
0x8d: {  	s2 =	sadd.s32 s2, s16  }
0x8e: {  	[smem:$0x3FB5] =	sst s2  }
0x8f: {  	_ = 	snop  }
0x90: {  	(tm) =	ssettm $0x1  }
0x91: {  	s17 =	sld [smem:$0x3FFB];
	_ =	sdelay $0x3  }
0x92: {  	_ =	strace s17  }
0x93: {  	s2 =	sld [smem:$0x3FFC];
	_ =	sdelay $0x3  }
0x94: {  	_ =	strace s2  }
0x95: {  	s2 =	sld [smem:$0x3FFD];
	_ =	sdelay $0x3  }
0x96: {  	_ =	strace s2  }
0x97: {  	_ =	strace $0x8FFFFFFF  }
0x98: {  	s18 =	sld [smem:$0x3FDB];
	_ =	sdelay $0x1  }
0x99: {  	s19 =	simm.s32 $_scs_section_size  }
0x9a: {  	s4 =	simm.s32 $_size__tile_overlayer_lowered;
	s5 =	simm.s32 $_tile_overlayer_lowered  }
0x9b: {  	s22 =	simm.s32 $0x1BFF;
	s21 =	sshll.u32 s5, $0x1;
	s2 =	sadd.s32 s19, s18  }
0x9c: {  	s6 =	simm.s32 $0x0;
	s20 =	sshll.u32 s4, $0x1;
	s4 =	sadd.s32 s21, s2  }
0x9d: {  	[timem:s6], [sflag:s22] =	dma.local [hbm:s4], s20  }
0x9e: {  	_ =	swait.ge [sflag:s22], s20  }
0x9f: {  	s3 =	ssub.s32 $0x0, s20;
	[sflag:s22] =	ssyncset.done $0x0  }
0xa0: {  	[sflag:s22] =	ssyncadd.s32 s3;
	_ =	sdelay $0x1  }
0xa1: {  	s23 =	simm.s32 $0x1B8B  }
0xa2: {  	_ =	swait.ge [sflag:s23], $0x1  }
0xa3: {  	[sflag:s23] =	ssyncset.done $0x0  }
0xa4: {  	s25 =	simm.s32 $0x1B8E;
	s24 =	sld [smem:$0x3FFE];
	[sflag:s23] =	ssyncadd.s32 $0xFFFFFFFF  }
0xa5: {  	s26 =	simm.s32 $execute0_lowered;
	[smem:$0x3FD2] =	sst s25  }
0xa6: {  	s4 =	sshll.u32 s26, $0x1;
	_ =	strace $0x8000004F;
	[dreg:$0x1] =	wrdreg $0xFFFFFFFF  }
0xa7: {  	s28 =	simm.s32 $_size_execute0_lowered;
	s2 =	sadd.s32 s2, s4;
	[dreg:$0x0] =	wrdreg $0x0  }
0xa8: {  	s4 =	sshll.u32 s28, $0x1;
	[dreg:$0x2] =	wrdreg s2  }
0xa9: {  	[dreg:$0x3] =	wrdreg s4  }
0xaa: {  	[dreg:$0x4] =	wrdreg $0xC0  }
0xab: {  	_ =	task [dreg:s6], $0x5FFFF  }
0xac: {  	[dreg:$0x1] =	wrdreg $0xFFFFFFFF  }
0xad: {  	[dreg:$0x0] =	wrdreg $0x60  }
0xae: {  	[dreg:$0x2] =	wrdreg s24  }
0xaf: {  	[dreg:$0x3] =	wrdreg $0xB0000  }
0xb0: {  	[dreg:$0x4] =	wrdreg $0x9  }
0xb1: {  	_ =	task.clear_ibuf [dreg:s6], $0x5FFFF;
	_ =	strace $0x9000004F  }
0xb2: {  	s29 =	simm.s32 $0x9;
	_ =	strace $0x80000051  }
0xb3: {  	_ =	swait.ge [sflag:s29], $0x1  }
0xb4: {  	[sflag:s29] =	ssyncadd.s32 $0xFFFFFFFF  }
0xb5: {  	_ =	strace $0x90000051  }
0xb6: {  	_ =	sfence  }
0xb7: {  	s30 =	sld [smem:$0x0];
	_ =	sdelay $0x2  }
0xb8: {  	s31 =	sshll.u32 s1, $0xD;
	s1 =	sshrl.u32 s1, $0x2  }
0xb9: {  	s3 =	sand.u32 $0x4000, s31;
	s1 =	sadd.s32 s1, s30  }
0xba: {  	s0 =	sor.u32 s3, s0;
	s1 =	sshll.u32 s1, $0x11  }
0xbb: {  	s0 =	sor.u32 s1, s0  }
0xbc: {  	s0 =	sadd.s32 $0x8F2B, s0  }
0xbd: {  	[sflag:s0] =	ssyncadd.remote.s32 $0x1  }
0xbe: {  	_ =	sfence.sel $0xFFFF  }
0xbf: {  	[dreg:$0x0] =	wrdreg $0xFFFFFFFF;
	(pc) =	sbr.abs _section_cstart, $3  }
0xc0: {  	[dreg:$0x1] =	wrdreg $0xFFFFFFFF  }
0xc1: {  	_ =	task.clear_ibuf [dreg:s6], $0x2FFFF;
	_ =	strace $0x9FFFFFFF  }
0xc2: {  	(tm) =	ssettm $0x7FFFFFFF  }
0xc3: {  	_ =	shalt  }
tec
execute0_lowered:
.L_overlay_start_1:
0x0: {  	(tag) =	ssettag $0x1  }
0x1: {  	s6 =	rddreg [dreg:$0x0]  }
0x2: {  	s0 =	stileid.u32;
	s1 =	srdreg.scid  }
0x3: {  	s2 =	rddreg [dreg:$0x1];
	s3 =	simm.s32 $0x0;
	s5 =	smul.u32 $0x700, s0  }
0x4: {  	s16 =	simm.s32 $0x80;
	s17 =	simm.s32 $0x7000;
	s7 =	smul.u32 $0x380, s0  }
0x5: {  	s13 =	sand.u32 $0x1, s1;
	s1 =	rddreg [dreg:$0x2];
	s9 =	smul.u32 $0x14000, s0  }
0x6: {  	s18 =	simm.s32 $0x1;
	[smem:$0x7FF] =	sst s3;
	s28 =	smul.u32 $0x50000, s0  }
0x7: {  	s4 =	sadd.s32 $0x10200, s6;
	s31 =	sshll.u32 s0, $0x6;
	s8 =	smul.u32 $0x140000, s13  }
0x8: {  	_ =	strace $0x80000050;
	s26 =	ssub.s32 $0x2, s13;
	p0 =	sne.s32 s13, $0x0  }
0x9: {  	s10 =	sadd.s32 s5, s6;
	s11 =	sadd.s32 s7, s6;
	s5 =	sadd.s32 $0xDA00, s6  }
0xa: {  	s29 =	sshrl.u32 s26, $0x1;
	s30 =	sshrl.u32 s28, $0x2;
	s24 =	sadd.s32 s9, s8  }
.Ltmp0:
0xb: {  	s14 =	ssub.s32 s26, s29;
	s15 =	sadd.s32 s30, s2;
	(pc) =	sbr.rel .LBB2_1-.Ltmp0, $4  }
0xc: {  	s7 =	sadd.s32 $0x60A00, s11;
	s8 =	sadd.s32 $0x64200, s11;
	s9 =	sadd.s32 $0x67A00, s10  }
0xd: {  	s10 =	sadd.s32 $0x6EA00, s10;
	s25 =	sshrl.u32 s24, $0x3;
	s13 =	sshrl.u32 s15, $0x3  }
0xe: {  	s15 =	simm.s32 $0x3800;
	s12 =	sadd.s32 s25, s6;
	s6 =	sor.u32 $0x1C02, s31  }
0xf: {  	s11 =	sadd.s32 $0x75A00, s12;
	s12 =	smax.u32 s14, $0x1;
	s14 =	simm.s32 $0x2  }
.LBB2_7:
0x10: {  	s19 =	sshra.s32 s19, $0x2;
	[sflag:s14] =	ssyncadd.s32 $0xFFFFC000  }
0x11: {  	[tilespmem:s17], [sflag:$0x1] =	stream.indirect.gather [hbm4b:s4+s16], $0x80, s19, s16, $0xb8;
	[tilespmem:$0x1F000] =	vst v63  }
0x12: {  	_ =	swait.ge [sflag:s18], $0x4000  }
0x13: {  	[sflag:s18] =	ssyncset.done $0x0  }
0x14: {  	s19 =	sadd.s32 $0x3800, s19;
	[sflag:s18] =	ssyncadd.s32 $0xFFFFC000  }
0x15: {  	[spmem:s2] =	stream.indirect.scatter.add.f32 [tilespmem:s17], [sflag:$0x2], $0x80, s19, s16, $0xb8;
	[tilespmem:$0x1F000] =	vst v63  }
0x16: {  	_ =	swait.ge [sflag:s14], $0x4000  }
0x17: {  	[sflag:s14] =	ssyncset.done $0x0  }
0x18: {  	[sflag:s14] =	ssyncadd.s32 $0xFFFFC000  }
.LBB2_8:
0x19: {  	s3 =	sadd.s32 $0x1, s3  }
0x1a: {  	p1 =	sne.s32 s3, s12  }
.Ltmp1:
0x1b: {  	[bflag:$0x0] =	sbarrier.arrive $0xFFFF;
	(pc) =	sbr.rel @!p1 .LBB2_9-.Ltmp1, $4  }
0x1c: {  	[hbm:s11], [sflag:s6] =	dma.local [spmem:s13], $0x2800  }
0x1d: {  	_ =	swait.ge [sflag:s14], $0x2800  }
0x1e: {  	[sflag:s14] =	ssyncset.done $0x0  }
0x1f: {  	[sflag:s14] =	ssyncadd.s32 $0xFFFFD800  }
.LBB2_1:
.Ltmp2:
0x20: {  	(pc) =	sbr.rel @p0 .LBB2_5-.Ltmp2, $4  }
0x21: {  	[spmem:s13], [sflag:s6] =	dma.local [hbm:s5], $0x2800  }
0x22: {  	_ =	swait.ge [sflag:s14], $0x2800  }
0x23: {  	[sflag:s14] =	ssyncset.done $0x0  }
0x24: {  	s19 =	simm.s32 $0x0;
	[sflag:s14] =	ssyncadd.s32 $0xFFFFD800  }
0x25: {  	[tilespmem:s19], [sflag:$0x2] =	stream.linear.gather [hbm4b:s9+s19], $0x3600, $0x38;
	[tilespmem:$0x1F000] =	vst v63  }
0x26: {  	_ =	swait.ge [sflag:s14], $0x3600  }
0x27: {  	[sflag:s14] =	ssyncset.done $0x0  }
0x28: {  	[sflag:s14] =	ssyncadd.s32 $0xFFFFCA00  }
0x29: {  	[tilespmem:s15], [sflag:$0x2] =	stream.linear.gather [hbm4b:s10+s19], $0x3600, $0x38;
	[tilespmem:$0x1F000] =	vst v63  }
0x2a: {  	_ =	swait.ge [sflag:s14], $0x3600  }
0x2b: {  	[sflag:s14] =	ssyncset.done $0x0  }
0x2c: {  	[sflag:s14] =	ssyncadd.s32 $0xFFFFCA00  }
0x2d: {  	s30 =	simm.s32 $0x0;
	[bflag:$0x0] =	sbarrier.arrive $0xFFFF  }
0x2e: {  	[tilespmem:s17], [sflag:$0x1] =	stream.indirect.gather [hbm4b:s4+s16], $0x80, s30, s16, $0xb8;
	[tilespmem:$0x1F000] =	vst v63  }
0x2f: {  	_ =	swait.ge [sflag:s18], $0x4000  }
0x30: {  	[sflag:s18] =	ssyncset.done $0x0  }
0x31: {  	s31 =	simm.s32 $0x3800;
	[sflag:s18] =	ssyncadd.s32 $0xFFFFC000  }
0x32: {  	[spmem:s2] =	stream.indirect.scatter.add.f32 [tilespmem:s17], [sflag:$0x2], $0x80, s31, s16, $0xb8;
	[tilespmem:$0x1F000] =	vst v63  }
0x33: {  	_ =	swait.ge [sflag:s14], $0x4000  }
0x34: {  	s20 =	simm.s32 $0x400;
	s19 =	simm.s32 $0x200;
	[sflag:s14] =	ssyncset.done $0x0  }
.LBB2_3:
0x35: {  	s21 =	sshra.s32 s19, $0x2  }
0x36: {  	[sflag:s14] =	ssyncadd.s32 $0xFFFFC000;
	s19 =	smov.u32 s20;
	s22 =	sadd.s32 $0x200, s20  }
0x37: {  	[tilespmem:s17], [sflag:$0x1] =	stream.indirect.gather [hbm4b:s4+s16], $0x80, s21, s16, $0xb8;
	[tilespmem:$0x1F000] =	vst v63  }
0x38: {  	p1 =	seq.s32 s20, $0xD600;
	_ =	swait.ge [sflag:s18], $0x4000  }
.Ltmp3:
0x39: {  	[sflag:s18] =	ssyncset.done $0x0;
	(pc) =	sbr.rel @!p1 .LBB2_3-.Ltmp3, $4  }
0x3a: {  	s20 =	sadd.s32 $0x3800, s21;
	[sflag:s18] =	ssyncadd.s32 $0xFFFFC000  }
0x3b: {  	[spmem:s2] =	stream.indirect.scatter.add.f32 [tilespmem:s17], [sflag:$0x2], $0x80, s20, s16, $0xb8;
	[tilespmem:$0x1F000] =	vst v63  }
0x3c: {  	_ =	swait.ge [sflag:s14], $0x4000  }
0x3d: {  	s20 =	smov.u32 s22;
	[sflag:s14] =	ssyncset.done $0x0  }
0x3e: {  	s19 =	sshra.s32 s19, $0x2;
	[sflag:s14] =	ssyncadd.s32 $0xFFFFC000  }
0x3f: {  	[tilespmem:s17], [sflag:$0x1] =	stream.indirect.gather [hbm4b:s4+s16], $0x80, s19, s16, $0xb8;
	[tilespmem:$0x1F000] =	vst v63  }
0x40: {  	_ =	swait.ge [sflag:s18], $0x4000  }
0x41: {  	[sflag:s18] =	ssyncset.done $0x0  }
.Ltmp4:
0x42: {  	s19 =	sadd.s32 $0x3800, s19;
	[sflag:s18] =	ssyncadd.s32 $0xFFFFC000;
	(pc) =	sbr.rel .LBB2_8-.Ltmp4, $4  }
0x43: {  	[spmem:s2] =	stream.indirect.scatter.add.f32 [tilespmem:s17], [sflag:$0x2], $0x80, s19, s16, $0xb8;
	[tilespmem:$0x1F000] =	vst v63  }
0x44: {  	_ =	swait.ge [sflag:s14], $0x4000  }
0x45: {  	[sflag:s14] =	ssyncset.done $0x0  }
0x46: {  	[sflag:s14] =	ssyncadd.s32 $0xFFFFC000  }
.LBB2_5:
0x47: {  	[tilespmem:s19], [sflag:$0x2] =	stream.linear.gather [hbm4b:s7+s19], $0x1900, $0x38;
	[tilespmem:$0x1F000] =	vst v63  }
0x48: {  	_ =	swait.ge [sflag:s14], $0x1900  }
0x49: {  	[sflag:s14] =	ssyncset.done $0x0  }
0x4a: {  	[sflag:s14] =	ssyncadd.s32 $0xFFFFE700  }
0x4b: {  	[tilespmem:s15], [sflag:$0x2] =	stream.linear.gather [hbm4b:s8+s19], $0x1900, $0x38;
	[tilespmem:$0x1F000] =	vst v63  }
0x4c: {  	_ =	swait.ge [sflag:s14], $0x1900  }
0x4d: {  	[sflag:s14] =	ssyncset.done $0x0  }
0x4e: {  	[sflag:s14] =	ssyncadd.s32 $0xFFFFE700  }
0x4f: {  	s30 =	simm.s32 $0x0;
	[bflag:$0x0] =	sbarrier.arrive $0xFFFF  }
0x50: {  	[tilespmem:s17], [sflag:$0x1] =	stream.indirect.gather [hbm4b:s4+s16], $0x80, s30, s16, $0xb8;
	[tilespmem:$0x1F000] =	vst v63  }
0x51: {  	_ =	swait.ge [sflag:s18], $0x4000  }
0x52: {  	[sflag:s18] =	ssyncset.done $0x0  }
0x53: {  	s31 =	simm.s32 $0x3800;
	[sflag:s18] =	ssyncadd.s32 $0xFFFFC000  }
0x54: {  	[spmem:s2] =	stream.indirect.scatter.add.f32 [tilespmem:s17], [sflag:$0x2], $0x80, s31, s16, $0xb8;
	[tilespmem:$0x1F000] =	vst v63  }
0x55: {  	_ =	swait.ge [sflag:s14], $0x4000  }
0x56: {  	s20 =	simm.s32 $0x400;
	s19 =	simm.s32 $0x200;
	[sflag:s14] =	ssyncset.done $0x0  }
.LBB2_6:
0x57: {  	s21 =	sshra.s32 s19, $0x2  }
0x58: {  	[sflag:s14] =	ssyncadd.s32 $0xFFFFC000;
	s19 =	smov.u32 s20;
	s22 =	sadd.s32 $0x200, s20  }
0x59: {  	[tilespmem:s17], [sflag:$0x1] =	stream.indirect.gather [hbm4b:s4+s16], $0x80, s21, s16, $0xb8;
	[tilespmem:$0x1F000] =	vst v63  }
0x5a: {  	p1 =	sne.s32 s20, $0x6200;
	_ =	swait.ge [sflag:s18], $0x4000  }
.Ltmp5:
0x5b: {  	[sflag:s18] =	ssyncset.done $0x0;
	(pc) =	sbr.rel @p1 .LBB2_6-.Ltmp5, $4  }
0x5c: {  	s20 =	sadd.s32 $0x3800, s21;
	[sflag:s18] =	ssyncadd.s32 $0xFFFFC000  }
0x5d: {  	[spmem:s2] =	stream.indirect.scatter.add.f32 [tilespmem:s17], [sflag:$0x2], $0x80, s20, s16, $0xb8;
	[tilespmem:$0x1F000] =	vst v63  }
0x5e: {  	_ =	swait.ge [sflag:s14], $0x4000  }
0x5f: {  	s20 =	smov.u32 s22;
	[sflag:s14] =	ssyncset.done $0x0  }
.Ltmp6:
0x60: {  	_ = 	snop;
	(pc) =	sbr.rel .LBB2_7-.Ltmp6, $1  }
0x61: {  	_ =	sdelay $0x3  }
.LBB2_9:
0x62: {  	_ =	sfence.sel $0x180000  }
0x63: {  	[bflag:$0x0] =	sbarrier.arrive $0xFFFF  }
0x64: {  	p0 =	sne.s32 s0, $0x0;
	_ =	strace $0x90000050  }
0x65: {  	s0 =	sadd.s32 @!p0 $0x100000, s1;
	[bflag:$0x2] =	sbarrier.arrive $0xFFFF  }
0x66: {  	[sflag:s0] =	ssyncadd.tile.s32 @!p0 $0x1;
	_ =	shalt  }
.Lfunc_end2:
_tile_overlayer_lowered:
.L_overlay_start_2:
0x67: {  	(tag) =	ssettag $0x2  }
0x68: {  	s0 =	rddreg [dreg:$0x0];
	s2 =	stileid.u32  }
0x69: {  	s1 =	rddreg [dreg:$0x1];
	p0 =	sne.s32 s2, $0x0  }
0x6a: {  	s3 =	rddreg [dreg:$0x2];
	[bflag:$0x3] =	sbarrier.arrive $0xFFFF;
	s2 =	simm.s32 @!p0 $0x1C02  }
0x6b: {  	[timem:s3], [sflag:s2] =	dma.local @!p0 [hbm:s0], s1  }
0x6c: {  	s0 =	simm.s32 @!p0 $0x2  }
0x6d: {  	_ =	swait.ge @!p0 [sflag:s0], s1  }
0x6e: {  	s1 =	ssub.s32 @!p0 $0x0, s1;
	[sflag:s0] =	ssyncset.done @!p0 $0x0  }
0x6f: {  	[sflag:s0] =	ssyncadd.s32 @!p0 s1  }
0x70: {  	[bflag:$0x3] =	sbarrier.arrive $0xFFFF  }
0x71: {  	_ =	shalt  }

</sc_bundles>
